<compile_context>
chip_gen: v7x
topology: tpu7x:2x2x1
jax: 0.10.2.dev20260603
libtpu: 0.0.44.dev20260713+nightly
codegen_flags: <defaults>
</compile_context>

<pallas_src>
import functools

import jax
import jax.numpy as jnp
from jax import lax
from jax.experimental import pallas as pl
from jax.experimental.pallas import tpu as pltpu
from jax.experimental.pallas import tpu_sc as plsc

N = 10000
E = 160000
D = 256
H = 128
NC = 2
NS = 16
R = 10240
CH = 128
NCHUNK = 79
EPT = NCHUNK * CH
EPAD = EPT * NS
RPT = R // NS
BLK = 1024
GRID = R // BLK


def _proj_body(x_ref, wp_ref, h_ref, h3_ref):
    x = x_ref[...]
    h = jnp.dot(x, wp_ref[...].T, preferred_element_type=jnp.float32)
    h_ref[...] = h
    h3_ref[0] = h[:, 0:H]
    h3_ref[1] = h[:, H:D]


_proj_call = pl.pallas_call(
    _proj_body,
    grid=(GRID,),
    in_specs=[
        pl.BlockSpec((BLK, D), lambda i: (i, 0)),
        pl.BlockSpec((D, D), lambda i: (0, 0)),
    ],
    out_specs=[
        pl.BlockSpec((BLK, D), lambda i: (i, 0)),
        pl.BlockSpec((NC, BLK, H), lambda i: (0, i, 0)),
    ],
    out_shape=[
        jax.ShapeDtypeStruct((R, D), jnp.float32),
        jax.ShapeDtypeStruct((NC, R, H), jnp.float32),
    ],
)


def _sage_mid_body(agg_ref, cnt_ref, h_ref, wl_ref, bl_ref, wr_ref,
                   o_ref, o3_ref):
    s = jnp.concatenate([agg_ref[0], agg_ref[1]], axis=1)
    cnt = cnt_ref[...]
    mean = s / jnp.maximum(cnt, 1.0)
    o = jnp.dot(mean, wl_ref[...].T, preferred_element_type=jnp.float32)
    o = o + bl_ref[...]
    o = o + jnp.dot(h_ref[...], wr_ref[...].T, preferred_element_type=jnp.float32)
    o = jnp.maximum(o, 0.0)
    o_ref[...] = o
    o3_ref[0] = o[:, 0:H]
    o3_ref[1] = o[:, H:D]


_sage_mid_call = pl.pallas_call(
    _sage_mid_body,
    grid=(GRID,),
    in_specs=[
        pl.BlockSpec((NC, BLK, H), lambda i: (0, i, 0)),
        pl.BlockSpec((BLK, 1), lambda i: (i, 0)),
        pl.BlockSpec((BLK, D), lambda i: (i, 0)),
        pl.BlockSpec((D, D), lambda i: (0, 0)),
        pl.BlockSpec((1, D), lambda i: (0, 0)),
        pl.BlockSpec((D, D), lambda i: (0, 0)),
    ],
    out_specs=[
        pl.BlockSpec((BLK, D), lambda i: (i, 0)),
        pl.BlockSpec((NC, BLK, H), lambda i: (0, i, 0)),
    ],
    out_shape=[
        jax.ShapeDtypeStruct((R, D), jnp.float32),
        jax.ShapeDtypeStruct((NC, R, H), jnp.float32),
    ],
)


def _sage_fin_body(agg_ref, cnt_ref, h_ref, wl_ref, bl_ref, wr_ref, o_ref):
    s = jnp.concatenate([agg_ref[0], agg_ref[1]], axis=1)
    cnt = cnt_ref[...]
    mean = s / jnp.maximum(cnt, 1.0)
    o = jnp.dot(mean, wl_ref[...].T, preferred_element_type=jnp.float32)
    o = o + bl_ref[...]
    o = o + jnp.dot(h_ref[...], wr_ref[...].T, preferred_element_type=jnp.float32)
    norm = jnp.sqrt(jnp.sum(o * o, axis=1, keepdims=True))
    o_ref[...] = o / jnp.maximum(norm, 1e-12)


_sage_fin_call = pl.pallas_call(
    _sage_fin_body,
    grid=(GRID,),
    in_specs=[
        pl.BlockSpec((NC, BLK, H), lambda i: (0, i, 0)),
        pl.BlockSpec((BLK, 1), lambda i: (i, 0)),
        pl.BlockSpec((BLK, D), lambda i: (i, 0)),
        pl.BlockSpec((D, D), lambda i: (0, 0)),
        pl.BlockSpec((1, D), lambda i: (0, 0)),
        pl.BlockSpec((D, D), lambda i: (0, 0)),
    ],
    out_specs=pl.BlockSpec((BLK, D), lambda i: (i, 0)),
    out_shape=jax.ShapeDtypeStruct((R, D), jnp.float32),
)


def _sc_agg_body(h3_hbm, src_hbm, dst_hbm, zrow_hbm, ones_hbm,
                 outf_hbm, outc_hbm,
                 src_v, dst_v, rows_v, ones_v, cnt_v, accf, accc, sem):
    c = lax.axis_index("c")
    s = lax.axis_index("s")

    pltpu.sync_copy(src_hbm.at[s], src_v)
    pltpu.sync_copy(dst_hbm.at[s], dst_v)
    pltpu.sync_copy(ones_hbm, ones_v)

    off = c * R

    def _adj(i, _):
        j = i // (CH // 16)
        k = i % (CH // 16)
        v = src_v[j, pl.ds(k * 16, 16)]
        src_v[j, pl.ds(k * 16, 16)] = v + off
        return 0

    lax.fori_loop(0, NCHUNK * (CH // 16), _adj, 0, unroll=8)

    pltpu.sync_copy(zrow_hbm, rows_v)

    def _zero(i, _):
        pltpu.sync_copy(rows_v, accf.at[pl.ds(s * RPT + i * CH, CH)])
        pltpu.sync_copy(rows_v.at[0], accc.at[pl.ds(s * RPT + i * CH, CH)])
        return 0

    lax.fori_loop(0, RPT // CH, _zero, 0)
    plsc.subcore_barrier()

    def _body(j, _):
        pltpu.async_copy(h3_hbm.at[src_v.at[j]], rows_v, sem).wait()
        pltpu.sync_copy(rows_v, accf.at[dst_v.at[j]], add=True)
        pltpu.sync_copy(ones_v, accc.at[dst_v.at[j]], add=True)
        return 0

    lax.fori_loop(0, NCHUNK, _body, 0)
    plsc.subcore_barrier()

    def _wb(i, _):
        base = s * RPT + i * CH
        pltpu.sync_copy(accf.at[pl.ds(base, CH)], rows_v)
        pltpu.sync_copy(rows_v, outf_hbm.at[pl.ds(c * R + base, CH)])
        return 0

    lax.fori_loop(0, RPT // CH, _wb, 0)
    pltpu.sync_copy(accc.at[pl.ds(s * RPT, RPT)], cnt_v)
    pltpu.sync_copy(cnt_v, outc_hbm.at[c].at[pl.ds(s * RPT, RPT)])


@functools.cache
def _sc_agg_call():
    return pl.kernel(
        _sc_agg_body,
        out_type=[
            jax.ShapeDtypeStruct((NC * R, H), jnp.float32),
            jax.ShapeDtypeStruct((NC, R), jnp.float32),
        ],
        mesh=plsc.VectorSubcoreMesh(core_axis_name="c", subcore_axis_name="s",
                                    num_cores=NC, num_subcores=NS),
        scratch_types=[
            pltpu.VMEM((NCHUNK, CH), jnp.int32),
            pltpu.VMEM((NCHUNK, CH), jnp.int32),
            pltpu.VMEM((CH, H), jnp.float32),
            pltpu.VMEM((CH,), jnp.float32),
            pltpu.VMEM((RPT,), jnp.float32),
            pltpu.VMEM_SHARED((R, H), jnp.float32),
            pltpu.VMEM_SHARED((R,), jnp.float32),
            pltpu.SemaphoreType.DMA,
        ],
    )


def kernel(x, edge_index, W_proj, W1_l, b1_l, W1_r, W2_l, b2_l, W2_r):
    x = x.astype(jnp.float32)
    src = edge_index[0].astype(jnp.int32)
    dst = edge_index[1].astype(jnp.int32)

    pad = EPAD - E
    src_p = jnp.concatenate([src, jnp.zeros((pad,), jnp.int32)])
    dst_p = jnp.concatenate([dst, jnp.full((pad,), N, jnp.int32)])
    src3 = src_p.reshape(NS, NCHUNK, CH)
    dst3 = dst_p.reshape(NS, NCHUNK, CH)
    zrow = jnp.zeros((CH, H), jnp.float32)
    onesv = jnp.ones((CH,), jnp.float32)

    x_p = jnp.pad(x, ((0, R - N), (0, 0)))
    b1 = b1_l.reshape(1, D).astype(jnp.float32)
    b2 = b2_l.reshape(1, D).astype(jnp.float32)

    h, h3 = _proj_call(x_p, W_proj.astype(jnp.float32))
    agg1, cnt1 = _sc_agg_call()(h3.reshape(NC * R, H), src3, dst3, zrow, onesv)
    cnt = cnt1[0].reshape(R, 1)
    h1, h13 = _sage_mid_call(agg1.reshape(NC, R, H), cnt, h,
                             W1_l.astype(jnp.float32), b1,
                             W1_r.astype(jnp.float32))
    agg2, _ = _sc_agg_call()(h13.reshape(NC * R, H), src3, dst3, zrow, onesv)
    out = _sage_fin_call(agg2.reshape(NC, R, H), cnt, h1,
                         W2_l.astype(jnp.float32), b2,
                         W2_r.astype(jnp.float32))
    return out[:N]

# --- scband reference (transcript-rebuilt; emitter-appended) ---
"""Pipeline reference for scband-embedding-alignment-gnn-48704929137342 (READ-ONLY COPY).

The authoritative reference and input builder live on the scoring server;
editing this copy changes nothing except your own understanding.
"""

import jax, jax.numpy as jnp
import numpy as np

N_NODES = 10000
N_EDGES = 160000
D = 256


def setup_inputs(seed: int = 0) -> dict:
    key = jax.random.key(seed)
    ks = jax.random.split(key, 9)
    x = jax.random.normal(ks[0], (N_NODES, D), dtype=jnp.float32)
    edge_index = jax.random.randint(ks[1], (2, N_EDGES), 0, N_NODES, dtype=jnp.int64)
    # projection: Linear(D, D, bias=False), xavier_uniform
    limit = float(np.sqrt(6.0 / (D + D)))
    W_proj = jax.random.uniform(ks[2], (D, D), minval=-limit, maxval=limit, dtype=jnp.float32)
    # SAGEConv params: lin_l (aggregated, with bias), lin_r (root, no bias)
    s = 1.0 / np.sqrt(D)
    W1_l = jax.random.uniform(ks[3], (D, D), minval=-s, maxval=s, dtype=jnp.float32)
    b1_l = jax.random.uniform(ks[4], (D,), minval=-s, maxval=s, dtype=jnp.float32)
    W1_r = jax.random.uniform(ks[5], (D, D), minval=-s, maxval=s, dtype=jnp.float32)
    W2_l = jax.random.uniform(ks[6], (D, D), minval=-s, maxval=s, dtype=jnp.float32)
    b2_l = jax.random.uniform(ks[7], (D,), minval=-s, maxval=s, dtype=jnp.float32)
    W2_r = jax.random.uniform(ks[8], (D, D), minval=-s, maxval=s, dtype=jnp.float32)
    return {"x": x, "edge_index": edge_index, "W_proj": W_proj,
            "W1_l": W1_l, "b1_l": b1_l, "W1_r": W1_r,
            "W2_l": W2_l, "b2_l": b2_l, "W2_r": W2_r}


def _sage_conv(h, edge_index, W_l, b_l, W_r):
    src = edge_index[0]
    dst = edge_index[1]
    msg = jnp.take(h, src, axis=0)                     # gather x_j
    agg = jax.ops.segment_sum(msg, dst, num_segments=N_NODES)   # scatter-add
    cnt = jax.ops.segment_sum(jnp.ones((msg.shape[0],), dtype=h.dtype), dst,
                              num_segments=N_NODES)
    mean = agg / jnp.clip(cnt, 1.0)[:, None]           # mean aggregation
    out = mean @ W_l.T + b_l                           # lin_l on aggregated
    out = out + h @ W_r.T                              # lin_r on root
    return out


def reference(x, edge_index, W_proj, W1_l, b1_l, W1_r, W2_l, b2_l, W2_r):
    h = x @ W_proj.T
    h = _sage_conv(h, edge_index, W1_l, b1_l, W1_r)
    h = jax.nn.relu(h)
    # dropout(p=0.1) is identity in eval mode
    h = _sage_conv(h, edge_index, W2_l, b2_l, W2_r)
    norm = jnp.sqrt(jnp.sum(h * h, axis=1, keepdims=True))
    h = h / jnp.maximum(norm, 1e-12)                   # F.normalize(dim=1)
    return h

if __name__ == "__main__":
    import jax
    _d = setup_inputs()
    print(jax.jit(kernel)(*tuple(_d.values())))

</pallas_src>

<mosaic_0001>
#map = affine_map<(d0, d1) -> (0, 0)>
#map1 = affine_map<(d0, d1) -> (0, 0, 0)>
#map2 = affine_map<(d0, d1) -> (0)>
module attributes {stable_mosaic.version = 14 : i64} {
  func.func @_sc_agg_body(%arg0: i32, %arg1: i32, %arg2: memref<20480x128xf32, #tpu.memory_space<hbm>>, %arg3: memref<16x79x128xi32, #tpu.memory_space<hbm>>, %arg4: memref<16x79x128xi32, #tpu.memory_space<hbm>>, %arg5: memref<128x128xf32, #tpu.memory_space<hbm>>, %arg6: memref<128xf32, #tpu.memory_space<hbm>>, %arg7: memref<20480x128xf32, #tpu.memory_space<hbm>>, %arg8: memref<2x10240xf32, #tpu.memory_space<hbm>>, %arg9: memref<79x128xi32, #tpu.memory_space<vmem>>, %arg10: memref<79x128xi32, #tpu.memory_space<vmem>>, %arg11: memref<128x128xf32, #tpu.memory_space<vmem>>, %arg12: memref<128xf32, #tpu.memory_space<vmem>>, %arg13: memref<640xf32, #tpu.memory_space<vmem>>, %arg14: memref<10240x128xf32, #tpu.memory_space<vmem_shared>>, %arg15: memref<10240xf32, #tpu.memory_space<vmem_shared>>, %arg16: memref<!tpu.dma_semaphore, #tpu.memory_space<semaphore_mem>>) attributes {dimension_semantics = [#tpu.dimension_semantics<core_parallel>, #tpu.dimension_semantics<subcore_parallel>], iteration_bounds = array<i64: 2, 16>, scalar_prefetch = 0 : i64, scratch_operands = 8 : i64, tpu.core_type = #tpu.core_type<sc_vector_subcore>, window_params = [{transform_indices = #map}, {transform_indices = #map1}, {transform_indices = #map1}, {transform_indices = #map}, {transform_indices = #map2}, {transform_indices = #map}, {transform_indices = #map}]} {
    "tpu.region"() ({
      %run_scoped3A = tpu.sem_alloc : memref<!tpu.dma_semaphore, #tpu.memory_space<semaphore_mem>>
      %dma_start3A = arith.constant 0 : i32
      %dma_start3A_33 = arith.constant 0 : i32
      %dma_start3A_34 = tpu.memref_slice %arg3[%arg1, %dma_start3A, %dma_start3A_33] : memref<16x79x128xi32, #tpu.memory_space<hbm>> -> memref<1x79x128xi32, #tpu.memory_space<hbm>>
      %dma_start3A_35 = tpu.memref_squeeze %dma_start3A_34 : memref<1x79x128xi32, #tpu.memory_space<hbm>> -> memref<79x128xi32, #tpu.memory_space<hbm>>
      %dma_start3A_36 = arith.constant 0 : i32
      %dma_start3A_37 = arith.constant 0 : i32
      %dma_start3A_38 = tpu.memref_slice %arg3[%arg1, %dma_start3A_36, %dma_start3A_37] : memref<16x79x128xi32, #tpu.memory_space<hbm>> -> memref<1x79x128xi32, #tpu.memory_space<hbm>>
      %dma_start3A_39 = tpu.memref_squeeze %dma_start3A_38 : memref<1x79x128xi32, #tpu.memory_space<hbm>> -> memref<79x128xi32, #tpu.memory_space<hbm>>
      tpu.enqueue_dma source(%dma_start3A_39 : memref<79x128xi32, #tpu.memory_space<hbm>>) target(%arg9 : memref<79x128xi32, #tpu.memory_space<vmem>>) target_semaphore(%run_scoped3A : memref<!tpu.dma_semaphore, #tpu.memory_space<semaphore_mem>>)
      %dma_wait3A = arith.constant 0 : i32
      %dma_wait3A_40 = arith.constant 0 : i32
      %dma_wait3A_41 = tpu.memref_slice %arg3[%arg1, %dma_wait3A, %dma_wait3A_40] : memref<16x79x128xi32, #tpu.memory_space<hbm>> -> memref<1x79x128xi32, #tpu.memory_space<hbm>>
      %dma_wait3A_42 = tpu.memref_squeeze %dma_wait3A_41 : memref<1x79x128xi32, #tpu.memory_space<hbm>> -> memref<79x128xi32, #tpu.memory_space<hbm>>
      %dma_wait3A_43 = arith.constant 0 : i32
      %dma_wait3A_44 = arith.constant 0 : i32
      %dma_wait3A_45 = tpu.memref_slice %arg3[%arg1, %dma_wait3A_43, %dma_wait3A_44] : memref<16x79x128xi32, #tpu.memory_space<hbm>> -> memref<1x79x128xi32, #tpu.memory_space<hbm>>
      %dma_wait3A_46 = tpu.memref_squeeze %dma_wait3A_45 : memref<1x79x128xi32, #tpu.memory_space<hbm>> -> memref<79x128xi32, #tpu.memory_space<hbm>>
      tpu.wait_dma2 semaphore(%run_scoped3A : memref<!tpu.dma_semaphore, #tpu.memory_space<semaphore_mem>>) src(%dma_wait3A_46 : memref<79x128xi32, #tpu.memory_space<hbm>>) dst(%arg9 : memref<79x128xi32, #tpu.memory_space<vmem>>)
      tpu.yield
    }) : () -> ()
    "tpu.region"() ({
      %run_scoped3A = tpu.sem_alloc : memref<!tpu.dma_semaphore, #tpu.memory_space<semaphore_mem>>
      %dma_start3A = arith.constant 0 : i32
      %dma_start3A_33 = arith.constant 0 : i32
      %dma_start3A_34 = tpu.memref_slice %arg4[%arg1, %dma_start3A, %dma_start3A_33] : memref<16x79x128xi32, #tpu.memory_space<hbm>> -> memref<1x79x128xi32, #tpu.memory_space<hbm>>
      %dma_start3A_35 = tpu.memref_squeeze %dma_start3A_34 : memref<1x79x128xi32, #tpu.memory_space<hbm>> -> memref<79x128xi32, #tpu.memory_space<hbm>>
      %dma_start3A_36 = arith.constant 0 : i32
      %dma_start3A_37 = arith.constant 0 : i32
      %dma_start3A_38 = tpu.memref_slice %arg4[%arg1, %dma_start3A_36, %dma_start3A_37] : memref<16x79x128xi32, #tpu.memory_space<hbm>> -> memref<1x79x128xi32, #tpu.memory_space<hbm>>
      %dma_start3A_39 = tpu.memref_squeeze %dma_start3A_38 : memref<1x79x128xi32, #tpu.memory_space<hbm>> -> memref<79x128xi32, #tpu.memory_space<hbm>>
      tpu.enqueue_dma source(%dma_start3A_39 : memref<79x128xi32, #tpu.memory_space<hbm>>) target(%arg10 : memref<79x128xi32, #tpu.memory_space<vmem>>) target_semaphore(%run_scoped3A : memref<!tpu.dma_semaphore, #tpu.memory_space<semaphore_mem>>)
      %dma_wait3A = arith.constant 0 : i32
      %dma_wait3A_40 = arith.constant 0 : i32
      %dma_wait3A_41 = tpu.memref_slice %arg4[%arg1, %dma_wait3A, %dma_wait3A_40] : memref<16x79x128xi32, #tpu.memory_space<hbm>> -> memref<1x79x128xi32, #tpu.memory_space<hbm>>
      %dma_wait3A_42 = tpu.memref_squeeze %dma_wait3A_41 : memref<1x79x128xi32, #tpu.memory_space<hbm>> -> memref<79x128xi32, #tpu.memory_space<hbm>>
      %dma_wait3A_43 = arith.constant 0 : i32
      %dma_wait3A_44 = arith.constant 0 : i32
      %dma_wait3A_45 = tpu.memref_slice %arg4[%arg1, %dma_wait3A_43, %dma_wait3A_44] : memref<16x79x128xi32, #tpu.memory_space<hbm>> -> memref<1x79x128xi32, #tpu.memory_space<hbm>>
      %dma_wait3A_46 = tpu.memref_squeeze %dma_wait3A_45 : memref<1x79x128xi32, #tpu.memory_space<hbm>> -> memref<79x128xi32, #tpu.memory_space<hbm>>
      tpu.wait_dma2 semaphore(%run_scoped3A : memref<!tpu.dma_semaphore, #tpu.memory_space<semaphore_mem>>) src(%dma_wait3A_46 : memref<79x128xi32, #tpu.memory_space<hbm>>) dst(%arg10 : memref<79x128xi32, #tpu.memory_space<vmem>>)
      tpu.yield
    }) : () -> ()
    "tpu.region"() ({
      %run_scoped3A = tpu.sem_alloc : memref<!tpu.dma_semaphore, #tpu.memory_space<semaphore_mem>>
      tpu.enqueue_dma source(%arg6 : memref<128xf32, #tpu.memory_space<hbm>>) target(%arg12 : memref<128xf32, #tpu.memory_space<vmem>>) target_semaphore(%run_scoped3A : memref<!tpu.dma_semaphore, #tpu.memory_space<semaphore_mem>>)
      tpu.wait_dma2 semaphore(%run_scoped3A : memref<!tpu.dma_semaphore, #tpu.memory_space<semaphore_mem>>) src(%arg6 : memref<128xf32, #tpu.memory_space<hbm>>) dst(%arg12 : memref<128xf32, #tpu.memory_space<vmem>>)
      tpu.yield
    }) : () -> ()
    %mul3A = arith.constant 10240 : i32
    %mul3A_0 = arith.muli %arg0, %mul3A : i32
    %scan3A = arith.constant 0 : i32
    %scan3A_1 = arith.constant 0 : i32
    %scan3A_2 = arith.constant 632 : i32
    %scan3A_3 = arith.addi %scan3A_1, %scan3A_2 : i32
    %scan3A_4 = arith.constant 8 : i32
    %scan3A_5 = scf.for %scan3A_33 = %scan3A_1 to %scan3A_3 step %scan3A_4 iter_args(%scan3A_34 = %scan3A) -> (i32)  : i32 {
      %jit3A = arith.constant 8 : i32
      %div3A = arith.divsi %scan3A_33, %jit3A : i32
      %sign3A = arith.constant 0 : i32
      %sign3A_35 = arith.cmpi sgt, %scan3A_33, %sign3A : i32
      %sign3A_36 = arith.extui %sign3A_35 : i1 to i32
      %sign3A_37 = arith.constant 0 : i32
      %sign3A_38 = arith.cmpi slt, %scan3A_33, %sign3A_37 : i32
      %sign3A_39 = arith.extui %sign3A_38 : i1 to i32
      %sign3A_40 = arith.subi %sign3A_36, %sign3A_39 : i32
      %sign3A_41 = arith.constant 0 : i32
      %sign3A_42 = arith.cmpi sgt, %jit3A, %sign3A_41 : i32
      %sign3A_43 = arith.extui %sign3A_42 : i1 to i32
      %sign3A_44 = arith.constant 0 : i32
      %sign3A_45 = arith.cmpi slt, %jit3A, %sign3A_44 : i32
      %sign3A_46 = arith.extui %sign3A_45 : i1 to i32
      %sign3A_47 = arith.subi %sign3A_43, %sign3A_46 : i32
      %ne3A = arith.cmpi ne, %sign3A_40, %sign3A_47 : i32
      %rem3A = arith.remsi %scan3A_33, %jit3A : i32
      %ne3A_48 = arith.constant 0 : i32
      %ne3A_49 = arith.cmpi ne, %rem3A, %ne3A_48 : i32
      %and3A = arith.andi %ne3A, %ne3A_49 : i1
      %sub3A = arith.constant 1 : i32
      %sub3A_50 = arith.subi %div3A, %sub3A : i32
      %select_n3A = arith.select %and3A, %sub3A_50, %div3A : i32
      %jit3A_51 = arith.constant 8 : i32
      %eq3A = arith.constant 0 : i32
      %eq3A_52 = arith.cmpi eq, %jit3A_51, %eq3A : i32
      %jit3A_53 = arith.constant 1 : i32
      %select_n3A_54 = arith.select %eq3A_52, %jit3A_53, %jit3A_51 : i32
      %rem3A_55 = arith.remsi %scan3A_33, %select_n3A_54 : i32
      %ne3A_56 = arith.constant 0 : i32
      %ne3A_57 = arith.cmpi ne, %rem3A_55, %ne3A_56 : i32
      %lt3A = arith.constant 0 : i32
      %lt3A_58 = arith.cmpi slt, %rem3A_55, %lt3A : i32
      %lt3A_59 = arith.constant 0 : i32
      %lt3A_60 = arith.cmpi slt, %select_n3A_54, %lt3A_59 : i32
      %ne3A_61 = arith.xori %lt3A_58, %lt3A_60 : i1
      %and3A_62 = arith.andi %ne3A_61, %ne3A_57 : i1
      %add3A = arith.addi %rem3A_55, %select_n3A_54 : i32
      %select_n3A_63 = arith.select %and3A_62, %add3A, %rem3A_55 : i32
      %mul3A_64 = arith.constant 16 : i32
      %mul3A_65 = arith.muli %select_n3A_63, %mul3A_64 : i32
      %get3A = arith.index_cast %select_n3A : i32 to index
      %get3A_66 = arith.index_cast %mul3A_65 : i32 to index
      %get3A_67 = tpu.vector_load %arg9[%get3A, %get3A_66] {strides = array<i32>} : memref<79x128xi32, #tpu.memory_space<vmem>>, vector<1x16xi32>,
      %get3A_68 = vector.shape_cast %get3A_67 : vector<1x16xi32> to vector<16xi32>
      %add3A_69 = vector.broadcast %mul3A_0 : i32 to vector<16xi32>
      %add3A_70 = arith.addi %get3A_68, %add3A_69 : vector<16xi32>
      %mul3A_71 = arith.constant 16 : i32
      %mul3A_72 = arith.muli %select_n3A_63, %mul3A_71 : i32
      %swap3A = arith.index_cast %select_n3A : i32 to index
      %swap3A_73 = arith.index_cast %mul3A_72 : i32 to index
      %swap3A_74 = tpu.vector_load %arg9[%swap3A, %swap3A_73] {strides = array<i32>} : memref<79x128xi32, #tpu.memory_space<vmem>>, vector<1x16xi32>,
      %swap3A_75 = vector.shape_cast %swap3A_74 : vector<1x16xi32> to vector<16xi32>
      %swap3A_76 = vector.shape_cast %add3A_70 : vector<16xi32> to vector<1x16xi32>
      tpu.vector_store %arg9[%swap3A, %swap3A_73], %swap3A_76 {strides = array<i32>} : memref<79x128xi32, #tpu.memory_space<vmem>>, vector<1x16xi32>,
      %scan3A_77 = arith.constant 0 : i32
      %scan3A_78 = arith.constant 1 : i32
      %scan3A_79 = arith.addi %scan3A_33, %scan3A_78 : i32
      %jit3A_80 = arith.constant 8 : i32
      %div3A_81 = arith.divsi %scan3A_79, %jit3A_80 : i32
      %sign3A_82 = arith.constant 0 : i32
      %sign3A_83 = arith.cmpi sgt, %scan3A_79, %sign3A_82 : i32
      %sign3A_84 = arith.extui %sign3A_83 : i1 to i32
      %sign3A_85 = arith.constant 0 : i32
      %sign3A_86 = arith.cmpi slt, %scan3A_79, %sign3A_85 : i32
      %sign3A_87 = arith.extui %sign3A_86 : i1 to i32
      %sign3A_88 = arith.subi %sign3A_84, %sign3A_87 : i32
      %sign3A_89 = arith.constant 0 : i32
      %sign3A_90 = arith.cmpi sgt, %jit3A_80, %sign3A_89 : i32
      %sign3A_91 = arith.extui %sign3A_90 : i1 to i32
      %sign3A_92 = arith.constant 0 : i32
      %sign3A_93 = arith.cmpi slt, %jit3A_80, %sign3A_92 : i32
      %sign3A_94 = arith.extui %sign3A_93 : i1 to i32
      %sign3A_95 = arith.subi %sign3A_91, %sign3A_94 : i32
      %ne3A_96 = arith.cmpi ne, %sign3A_88, %sign3A_95 : i32
      %rem3A_97 = arith.remsi %scan3A_79, %jit3A_80 : i32
      %ne3A_98 = arith.constant 0 : i32
      %ne3A_99 = arith.cmpi ne, %rem3A_97, %ne3A_98 : i32
      %and3A_100 = arith.andi %ne3A_96, %ne3A_99 : i1
      %sub3A_101 = arith.constant 1 : i32
      %sub3A_102 = arith.subi %div3A_81, %sub3A_101 : i32
      %select_n3A_103 = arith.select %and3A_100, %sub3A_102, %div3A_81 : i32
      %jit3A_104 = arith.constant 8 : i32
      %eq3A_105 = arith.constant 0 : i32
      %eq3A_106 = arith.cmpi eq, %jit3A_104, %eq3A_105 : i32
      %jit3A_107 = arith.constant 1 : i32
      %select_n3A_108 = arith.select %eq3A_106, %jit3A_107, %jit3A_104 : i32
      %rem3A_109 = arith.remsi %scan3A_79, %select_n3A_108 : i32
      %ne3A_110 = arith.constant 0 : i32
      %ne3A_111 = arith.cmpi ne, %rem3A_109, %ne3A_110 : i32
      %lt3A_112 = arith.constant 0 : i32
      %lt3A_113 = arith.cmpi slt, %rem3A_109, %lt3A_112 : i32
      %lt3A_114 = arith.constant 0 : i32
      %lt3A_115 = arith.cmpi slt, %select_n3A_108, %lt3A_114 : i32
      %ne3A_116 = arith.xori %lt3A_113, %lt3A_115 : i1
      %and3A_117 = arith.andi %ne3A_116, %ne3A_111 : i1
      %add3A_118 = arith.addi %rem3A_109, %select_n3A_108 : i32
      %select_n3A_119 = arith.select %and3A_117, %add3A_118, %rem3A_109 : i32
      %mul3A_120 = arith.constant 16 : i32
      %mul3A_121 = arith.muli %select_n3A_119, %mul3A_120 : i32
      %get3A_122 = arith.index_cast %select_n3A_103 : i32 to index
      %get3A_123 = arith.index_cast %mul3A_121 : i32 to index
      %get3A_124 = tpu.vector_load %arg9[%get3A_122, %get3A_123] {strides = array<i32>} : memref<79x128xi32, #tpu.memory_space<vmem>>, vector<1x16xi32>,
      %get3A_125 = vector.shape_cast %get3A_124 : vector<1x16xi32> to vector<16xi32>
      %add3A_126 = vector.broadcast %mul3A_0 : i32 to vector<16xi32>
      %add3A_127 = arith.addi %get3A_125, %add3A_126 : vector<16xi32>
      %mul3A_128 = arith.constant 16 : i32
      %mul3A_129 = arith.muli %select_n3A_119, %mul3A_128 : i32
      %swap3A_130 = arith.index_cast %select_n3A_103 : i32 to index
      %swap3A_131 = arith.index_cast %mul3A_129 : i32 to index
      %swap3A_132 = tpu.vector_load %arg9[%swap3A_130, %swap3A_131] {strides = array<i32>} : memref<79x128xi32, #tpu.memory_space<vmem>>, vector<1x16xi32>,
      %swap3A_133 = vector.shape_cast %swap3A_132 : vector<1x16xi32> to vector<16xi32>
      %swap3A_134 = vector.shape_cast %add3A_127 : vector<16xi32> to vector<1x16xi32>
      tpu.vector_store %arg9[%swap3A_130, %swap3A_131], %swap3A_134 {strides = array<i32>} : memref<79x128xi32, #tpu.memory_space<vmem>>, vector<1x16xi32>,
      %scan3A_135 = arith.constant 0 : i32
      %scan3A_136 = arith.constant 2 : i32
      %scan3A_137 = arith.addi %scan3A_33, %scan3A_136 : i32
      %jit3A_138 = arith.constant 8 : i32
      %div3A_139 = arith.divsi %scan3A_137, %jit3A_138 : i32
      %sign3A_140 = arith.constant 0 : i32
      %sign3A_141 = arith.cmpi sgt, %scan3A_137, %sign3A_140 : i32
      %sign3A_142 = arith.extui %sign3A_141 : i1 to i32
      %sign3A_143 = arith.constant 0 : i32
      %sign3A_144 = arith.cmpi slt, %scan3A_137, %sign3A_143 : i32
      %sign3A_145 = arith.extui %sign3A_144 : i1 to i32
      %sign3A_146 = arith.subi %sign3A_142, %sign3A_145 : i32
      %sign3A_147 = arith.constant 0 : i32
      %sign3A_148 = arith.cmpi sgt, %jit3A_138, %sign3A_147 : i32
      %sign3A_149 = arith.extui %sign3A_148 : i1 to i32
      %sign3A_150 = arith.constant 0 : i32
      %sign3A_151 = arith.cmpi slt, %jit3A_138, %sign3A_150 : i32
      %sign3A_152 = arith.extui %sign3A_151 : i1 to i32
      %sign3A_153 = arith.subi %sign3A_149, %sign3A_152 : i32
      %ne3A_154 = arith.cmpi ne, %sign3A_146, %sign3A_153 : i32
      %rem3A_155 = arith.remsi %scan3A_137, %jit3A_138 : i32
      %ne3A_156 = arith.constant 0 : i32
      %ne3A_157 = arith.cmpi ne, %rem3A_155, %ne3A_156 : i32
      %and3A_158 = arith.andi %ne3A_154, %ne3A_157 : i1
      %sub3A_159 = arith.constant 1 : i32
      %sub3A_160 = arith.subi %div3A_139, %sub3A_159 : i32
      %select_n3A_161 = arith.select %and3A_158, %sub3A_160, %div3A_139 : i32
      %jit3A_162 = arith.constant 8 : i32
      %eq3A_163 = arith.constant 0 : i32
      %eq3A_164 = arith.cmpi eq, %jit3A_162, %eq3A_163 : i32
      %jit3A_165 = arith.constant 1 : i32
      %select_n3A_166 = arith.select %eq3A_164, %jit3A_165, %jit3A_162 : i32
      %rem3A_167 = arith.remsi %scan3A_137, %select_n3A_166 : i32
      %ne3A_168 = arith.constant 0 : i32
      %ne3A_169 = arith.cmpi ne, %rem3A_167, %ne3A_168 : i32
      %lt3A_170 = arith.constant 0 : i32
      %lt3A_171 = arith.cmpi slt, %rem3A_167, %lt3A_170 : i32
      %lt3A_172 = arith.constant 0 : i32
      %lt3A_173 = arith.cmpi slt, %select_n3A_166, %lt3A_172 : i32
      %ne3A_174 = arith.xori %lt3A_171, %lt3A_173 : i1
      %and3A_175 = arith.andi %ne3A_174, %ne3A_169 : i1
      %add3A_176 = arith.addi %rem3A_167, %select_n3A_166 : i32
      %select_n3A_177 = arith.select %and3A_175, %add3A_176, %rem3A_167 : i32
      %mul3A_178 = arith.constant 16 : i32
      %mul3A_179 = arith.muli %select_n3A_177, %mul3A_178 : i32
      %get3A_180 = arith.index_cast %select_n3A_161 : i32 to index
      %get3A_181 = arith.index_cast %mul3A_179 : i32 to index
      %get3A_182 = tpu.vector_load %arg9[%get3A_180, %get3A_181] {strides = array<i32>} : memref<79x128xi32, #tpu.memory_space<vmem>>, vector<1x16xi32>,
      %get3A_183 = vector.shape_cast %get3A_182 : vector<1x16xi32> to vector<16xi32>
      %add3A_184 = vector.broadcast %mul3A_0 : i32 to vector<16xi32>
      %add3A_185 = arith.addi %get3A_183, %add3A_184 : vector<16xi32>
      %mul3A_186 = arith.constant 16 : i32
      %mul3A_187 = arith.muli %select_n3A_177, %mul3A_186 : i32
      %swap3A_188 = arith.index_cast %select_n3A_161 : i32 to index
      %swap3A_189 = arith.index_cast %mul3A_187 : i32 to index
      %swap3A_190 = tpu.vector_load %arg9[%swap3A_188, %swap3A_189] {strides = array<i32>} : memref<79x128xi32, #tpu.memory_space<vmem>>, vector<1x16xi32>,
      %swap3A_191 = vector.shape_cast %swap3A_190 : vector<1x16xi32> to vector<16xi32>
      %swap3A_192 = vector.shape_cast %add3A_185 : vector<16xi32> to vector<1x16xi32>
      tpu.vector_store %arg9[%swap3A_188, %swap3A_189], %swap3A_192 {strides = array<i32>} : memref<79x128xi32, #tpu.memory_space<vmem>>, vector<1x16xi32>,
      %scan3A_193 = arith.constant 0 : i32
      %scan3A_194 = arith.constant 3 : i32
      %scan3A_195 = arith.addi %scan3A_33, %scan3A_194 : i32
      %jit3A_196 = arith.constant 8 : i32
      %div3A_197 = arith.divsi %scan3A_195, %jit3A_196 : i32
      %sign3A_198 = arith.constant 0 : i32
      %sign3A_199 = arith.cmpi sgt, %scan3A_195, %sign3A_198 : i32
      %sign3A_200 = arith.extui %sign3A_199 : i1 to i32
      %sign3A_201 = arith.constant 0 : i32
      %sign3A_202 = arith.cmpi slt, %scan3A_195, %sign3A_201 : i32
      %sign3A_203 = arith.extui %sign3A_202 : i1 to i32
      %sign3A_204 = arith.subi %sign3A_200, %sign3A_203 : i32
      %sign3A_205 = arith.constant 0 : i32
      %sign3A_206 = arith.cmpi sgt, %jit3A_196, %sign3A_205 : i32
      %sign3A_207 = arith.extui %sign3A_206 : i1 to i32
      %sign3A_208 = arith.constant 0 : i32
      %sign3A_209 = arith.cmpi slt, %jit3A_196, %sign3A_208 : i32
      %sign3A_210 = arith.extui %sign3A_209 : i1 to i32
      %sign3A_211 = arith.subi %sign3A_207, %sign3A_210 : i32
      %ne3A_212 = arith.cmpi ne, %sign3A_204, %sign3A_211 : i32
      %rem3A_213 = arith.remsi %scan3A_195, %jit3A_196 : i32
      %ne3A_214 = arith.constant 0 : i32
      %ne3A_215 = arith.cmpi ne, %rem3A_213, %ne3A_214 : i32
      %and3A_216 = arith.andi %ne3A_212, %ne3A_215 : i1
      %sub3A_217 = arith.constant 1 : i32
      %sub3A_218 = arith.subi %div3A_197, %sub3A_217 : i32
      %select_n3A_219 = arith.select %and3A_216, %sub3A_218, %div3A_197 : i32
      %jit3A_220 = arith.constant 8 : i32
      %eq3A_221 = arith.constant 0 : i32
      %eq3A_222 = arith.cmpi eq, %jit3A_220, %eq3A_221 : i32
      %jit3A_223 = arith.constant 1 : i32
      %select_n3A_224 = arith.select %eq3A_222, %jit3A_223, %jit3A_220 : i32
      %rem3A_225 = arith.remsi %scan3A_195, %select_n3A_224 : i32
      %ne3A_226 = arith.constant 0 : i32
      %ne3A_227 = arith.cmpi ne, %rem3A_225, %ne3A_226 : i32
      %lt3A_228 = arith.constant 0 : i32
      %lt3A_229 = arith.cmpi slt, %rem3A_225, %lt3A_228 : i32
      %lt3A_230 = arith.constant 0 : i32
      %lt3A_231 = arith.cmpi slt, %select_n3A_224, %lt3A_230 : i32
      %ne3A_232 = arith.xori %lt3A_229, %lt3A_231 : i1
      %and3A_233 = arith.andi %ne3A_232, %ne3A_227 : i1
      %add3A_234 = arith.addi %rem3A_225, %select_n3A_224 : i32
      %select_n3A_235 = arith.select %and3A_233, %add3A_234, %rem3A_225 : i32
      %mul3A_236 = arith.constant 16 : i32
      %mul3A_237 = arith.muli %select_n3A_235, %mul3A_236 : i32
      %get3A_238 = arith.index_cast %select_n3A_219 : i32 to index
      %get3A_239 = arith.index_cast %mul3A_237 : i32 to index
      %get3A_240 = tpu.vector_load %arg9[%get3A_238, %get3A_239] {strides = array<i32>} : memref<79x128xi32, #tpu.memory_space<vmem>>, vector<1x16xi32>,
      %get3A_241 = vector.shape_cast %get3A_240 : vector<1x16xi32> to vector<16xi32>
      %add3A_242 = vector.broadcast %mul3A_0 : i32 to vector<16xi32>
      %add3A_243 = arith.addi %get3A_241, %add3A_242 : vector<16xi32>
      %mul3A_244 = arith.constant 16 : i32
      %mul3A_245 = arith.muli %select_n3A_235, %mul3A_244 : i32
      %swap3A_246 = arith.index_cast %select_n3A_219 : i32 to index
      %swap3A_247 = arith.index_cast %mul3A_245 : i32 to index
      %swap3A_248 = tpu.vector_load %arg9[%swap3A_246, %swap3A_247] {strides = array<i32>} : memref<79x128xi32, #tpu.memory_space<vmem>>, vector<1x16xi32>,
      %swap3A_249 = vector.shape_cast %swap3A_248 : vector<1x16xi32> to vector<16xi32>
      %swap3A_250 = vector.shape_cast %add3A_243 : vector<16xi32> to vector<1x16xi32>
      tpu.vector_store %arg9[%swap3A_246, %swap3A_247], %swap3A_250 {strides = array<i32>} : memref<79x128xi32, #tpu.memory_space<vmem>>, vector<1x16xi32>,
      %scan3A_251 = arith.constant 0 : i32
      %scan3A_252 = arith.constant 4 : i32
      %scan3A_253 = arith.addi %scan3A_33, %scan3A_252 : i32
      %jit3A_254 = arith.constant 8 : i32
      %div3A_255 = arith.divsi %scan3A_253, %jit3A_254 : i32
      %sign3A_256 = arith.constant 0 : i32
      %sign3A_257 = arith.cmpi sgt, %scan3A_253, %sign3A_256 : i32
      %sign3A_258 = arith.extui %sign3A_257 : i1 to i32
      %sign3A_259 = arith.constant 0 : i32
      %sign3A_260 = arith.cmpi slt, %scan3A_253, %sign3A_259 : i32
      %sign3A_261 = arith.extui %sign3A_260 : i1 to i32
      %sign3A_262 = arith.subi %sign3A_258, %sign3A_261 : i32
      %sign3A_263 = arith.constant 0 : i32
      %sign3A_264 = arith.cmpi sgt, %jit3A_254, %sign3A_263 : i32
      %sign3A_265 = arith.extui %sign3A_264 : i1 to i32
      %sign3A_266 = arith.constant 0 : i32
      %sign3A_267 = arith.cmpi slt, %jit3A_254, %sign3A_266 : i32
      %sign3A_268 = arith.extui %sign3A_267 : i1 to i32
      %sign3A_269 = arith.subi %sign3A_265, %sign3A_268 : i32
      %ne3A_270 = arith.cmpi ne, %sign3A_262, %sign3A_269 : i32
      %rem3A_271 = arith.remsi %scan3A_253, %jit3A_254 : i32
      %ne3A_272 = arith.constant 0 : i32
      %ne3A_273 = arith.cmpi ne, %rem3A_271, %ne3A_272 : i32
      %and3A_274 = arith.andi %ne3A_270, %ne3A_273 : i1
      %sub3A_275 = arith.constant 1 : i32
      %sub3A_276 = arith.subi %div3A_255, %sub3A_275 : i32
      %select_n3A_277 = arith.select %and3A_274, %sub3A_276, %div3A_255 : i32
      %jit3A_278 = arith.constant 8 : i32
      %eq3A_279 = arith.constant 0 : i32
      %eq3A_280 = arith.cmpi eq, %jit3A_278, %eq3A_279 : i32
      %jit3A_281 = arith.constant 1 : i32
      %select_n3A_282 = arith.select %eq3A_280, %jit3A_281, %jit3A_278 : i32
      %rem3A_283 = arith.remsi %scan3A_253, %select_n3A_282 : i32
      %ne3A_284 = arith.constant 0 : i32
      %ne3A_285 = arith.cmpi ne, %rem3A_283, %ne3A_284 : i32
      %lt3A_286 = arith.constant 0 : i32
      %lt3A_287 = arith.cmpi slt, %rem3A_283, %lt3A_286 : i32
      %lt3A_288 = arith.constant 0 : i32
      %lt3A_289 = arith.cmpi slt, %select_n3A_282, %lt3A_288 : i32
      %ne3A_290 = arith.xori %lt3A_287, %lt3A_289 : i1
      %and3A_291 = arith.andi %ne3A_290, %ne3A_285 : i1
      %add3A_292 = arith.addi %rem3A_283, %select_n3A_282 : i32
      %select_n3A_293 = arith.select %and3A_291, %add3A_292, %rem3A_283 : i32
      %mul3A_294 = arith.constant 16 : i32
      %mul3A_295 = arith.muli %select_n3A_293, %mul3A_294 : i32
      %get3A_296 = arith.index_cast %select_n3A_277 : i32 to index
      %get3A_297 = arith.index_cast %mul3A_295 : i32 to index
      %get3A_298 = tpu.vector_load %arg9[%get3A_296, %get3A_297] {strides = array<i32>} : memref<79x128xi32, #tpu.memory_space<vmem>>, vector<1x16xi32>,
      %get3A_299 = vector.shape_cast %get3A_298 : vector<1x16xi32> to vector<16xi32>
      %add3A_300 = vector.broadcast %mul3A_0 : i32 to vector<16xi32>
      %add3A_301 = arith.addi %get3A_299, %add3A_300 : vector<16xi32>
      %mul3A_302 = arith.constant 16 : i32
      %mul3A_303 = arith.muli %select_n3A_293, %mul3A_302 : i32
      %swap3A_304 = arith.index_cast %select_n3A_277 : i32 to index
      %swap3A_305 = arith.index_cast %mul3A_303 : i32 to index
      %swap3A_306 = tpu.vector_load %arg9[%swap3A_304, %swap3A_305] {strides = array<i32>} : memref<79x128xi32, #tpu.memory_space<vmem>>, vector<1x16xi32>,
      %swap3A_307 = vector.shape_cast %swap3A_306 : vector<1x16xi32> to vector<16xi32>
      %swap3A_308 = vector.shape_cast %add3A_301 : vector<16xi32> to vector<1x16xi32>
      tpu.vector_store %arg9[%swap3A_304, %swap3A_305], %swap3A_308 {strides = array<i32>} : memref<79x128xi32, #tpu.memory_space<vmem>>, vector<1x16xi32>,
      %scan3A_309 = arith.constant 0 : i32
      %scan3A_310 = arith.constant 5 : i32
      %scan3A_311 = arith.addi %scan3A_33, %scan3A_310 : i32
      %jit3A_312 = arith.constant 8 : i32
      %div3A_313 = arith.divsi %scan3A_311, %jit3A_312 : i32
      %sign3A_314 = arith.constant 0 : i32
      %sign3A_315 = arith.cmpi sgt, %scan3A_311, %sign3A_314 : i32
      %sign3A_316 = arith.extui %sign3A_315 : i1 to i32
      %sign3A_317 = arith.constant 0 : i32
      %sign3A_318 = arith.cmpi slt, %scan3A_311, %sign3A_317 : i32
      %sign3A_319 = arith.extui %sign3A_318 : i1 to i32
      %sign3A_320 = arith.subi %sign3A_316, %sign3A_319 : i32
      %sign3A_321 = arith.constant 0 : i32
      %sign3A_322 = arith.cmpi sgt, %jit3A_312, %sign3A_321 : i32
      %sign3A_323 = arith.extui %sign3A_322 : i1 to i32
      %sign3A_324 = arith.constant 0 : i32
      %sign3A_325 = arith.cmpi slt, %jit3A_312, %sign3A_324 : i32
      %sign3A_326 = arith.extui %sign3A_325 : i1 to i32
      %sign3A_327 = arith.subi %sign3A_323, %sign3A_326 : i32
      %ne3A_328 = arith.cmpi ne, %sign3A_320, %sign3A_327 : i32
      %rem3A_329 = arith.remsi %scan3A_311, %jit3A_312 : i32
      %ne3A_330 = arith.constant 0 : i32
      %ne3A_331 = arith.cmpi ne, %rem3A_329, %ne3A_330 : i32
      %and3A_332 = arith.andi %ne3A_328, %ne3A_331 : i1
      %sub3A_333 = arith.constant 1 : i32
      %sub3A_334 = arith.subi %div3A_313, %sub3A_333 : i32
      %select_n3A_335 = arith.select %and3A_332, %sub3A_334, %div3A_313 : i32
      %jit3A_336 = arith.constant 8 : i32
      %eq3A_337 = arith.constant 0 : i32
      %eq3A_338 = arith.cmpi eq, %jit3A_336, %eq3A_337 : i32
      %jit3A_339 = arith.constant 1 : i32
      %select_n3A_340 = arith.select %eq3A_338, %jit3A_339, %jit3A_336 : i32
      %rem3A_341 = arith.remsi %scan3A_311, %select_n3A_340 : i32
      %ne3A_342 = arith.constant 0 : i32
      %ne3A_343 = arith.cmpi ne, %rem3A_341, %ne3A_342 : i32
      %lt3A_344 = arith.constant 0 : i32
      %lt3A_345 = arith.cmpi slt, %rem3A_341, %lt3A_344 : i32
      %lt3A_346 = arith.constant 0 : i32
      %lt3A_347 = arith.cmpi slt, %select_n3A_340, %lt3A_346 : i32
      %ne3A_348 = arith.xori %lt3A_345, %lt3A_347 : i1
      %and3A_349 = arith.andi %ne3A_348, %ne3A_343 : i1
      %add3A_350 = arith.addi %rem3A_341, %select_n3A_340 : i32
      %select_n3A_351 = arith.select %and3A_349, %add3A_350, %rem3A_341 : i32
      %mul3A_352 = arith.constant 16 : i32
      %mul3A_353 = arith.muli %select_n3A_351, %mul3A_352 : i32
      %get3A_354 = arith.index_cast %select_n3A_335 : i32 to index
      %get3A_355 = arith.index_cast %mul3A_353 : i32 to index
      %get3A_356 = tpu.vector_load %arg9[%get3A_354, %get3A_355] {strides = array<i32>} : memref<79x128xi32, #tpu.memory_space<vmem>>, vector<1x16xi32>,
      %get3A_357 = vector.shape_cast %get3A_356 : vector<1x16xi32> to vector<16xi32>
      %add3A_358 = vector.broadcast %mul3A_0 : i32 to vector<16xi32>
      %add3A_359 = arith.addi %get3A_357, %add3A_358 : vector<16xi32>
      %mul3A_360 = arith.constant 16 : i32
      %mul3A_361 = arith.muli %select_n3A_351, %mul3A_360 : i32
      %swap3A_362 = arith.index_cast %select_n3A_335 : i32 to index
      %swap3A_363 = arith.index_cast %mul3A_361 : i32 to index
      %swap3A_364 = tpu.vector_load %arg9[%swap3A_362, %swap3A_363] {strides = array<i32>} : memref<79x128xi32, #tpu.memory_space<vmem>>, vector<1x16xi32>,
      %swap3A_365 = vector.shape_cast %swap3A_364 : vector<1x16xi32> to vector<16xi32>
      %swap3A_366 = vector.shape_cast %add3A_359 : vector<16xi32> to vector<1x16xi32>
      tpu.vector_store %arg9[%swap3A_362, %swap3A_363], %swap3A_366 {strides = array<i32>} : memref<79x128xi32, #tpu.memory_space<vmem>>, vector<1x16xi32>,
      %scan3A_367 = arith.constant 0 : i32
      %scan3A_368 = arith.constant 6 : i32
      %scan3A_369 = arith.addi %scan3A_33, %scan3A_368 : i32
      %jit3A_370 = arith.constant 8 : i32
      %div3A_371 = arith.divsi %scan3A_369, %jit3A_370 : i32
      %sign3A_372 = arith.constant 0 : i32
      %sign3A_373 = arith.cmpi sgt, %scan3A_369, %sign3A_372 : i32
      %sign3A_374 = arith.extui %sign3A_373 : i1 to i32
      %sign3A_375 = arith.constant 0 : i32
      %sign3A_376 = arith.cmpi slt, %scan3A_369, %sign3A_375 : i32
      %sign3A_377 = arith.extui %sign3A_376 : i1 to i32
      %sign3A_378 = arith.subi %sign3A_374, %sign3A_377 : i32
      %sign3A_379 = arith.constant 0 : i32
      %sign3A_380 = arith.cmpi sgt, %jit3A_370, %sign3A_379 : i32
      %sign3A_381 = arith.extui %sign3A_380 : i1 to i32
      %sign3A_382 = arith.constant 0 : i32
      %sign3A_383 = arith.cmpi slt, %jit3A_370, %sign3A_382 : i32
      %sign3A_384 = arith.extui %sign3A_383 : i1 to i32
      %sign3A_385 = arith.subi %sign3A_381, %sign3A_384 : i32
      %ne3A_386 = arith.cmpi ne, %sign3A_378, %sign3A_385 : i32
      %rem3A_387 = arith.remsi %scan3A_369, %jit3A_370 : i32
      %ne3A_388 = arith.constant 0 : i32
      %ne3A_389 = arith.cmpi ne, %rem3A_387, %ne3A_388 : i32
      %and3A_390 = arith.andi %ne3A_386, %ne3A_389 : i1
      %sub3A_391 = arith.constant 1 : i32
      %sub3A_392 = arith.subi %div3A_371, %sub3A_391 : i32
      %select_n3A_393 = arith.select %and3A_390, %sub3A_392, %div3A_371 : i32
      %jit3A_394 = arith.constant 8 : i32
      %eq3A_395 = arith.constant 0 : i32
      %eq3A_396 = arith.cmpi eq, %jit3A_394, %eq3A_395 : i32
      %jit3A_397 = arith.constant 1 : i32
      %select_n3A_398 = arith.select %eq3A_396, %jit3A_397, %jit3A_394 : i32
      %rem3A_399 = arith.remsi %scan3A_369, %select_n3A_398 : i32
      %ne3A_400 = arith.constant 0 : i32
      %ne3A_401 = arith.cmpi ne, %rem3A_399, %ne3A_400 : i32
      %lt3A_402 = arith.constant 0 : i32
      %lt3A_403 = arith.cmpi slt, %rem3A_399, %lt3A_402 : i32
      %lt3A_404 = arith.constant 0 : i32
      %lt3A_405 = arith.cmpi slt, %select_n3A_398, %lt3A_404 : i32
      %ne3A_406 = arith.xori %lt3A_403, %lt3A_405 : i1
      %and3A_407 = arith.andi %ne3A_406, %ne3A_401 : i1
      %add3A_408 = arith.addi %rem3A_399, %select_n3A_398 : i32
      %select_n3A_409 = arith.select %and3A_407, %add3A_408, %rem3A_399 : i32
      %mul3A_410 = arith.constant 16 : i32
      %mul3A_411 = arith.muli %select_n3A_409, %mul3A_410 : i32
      %get3A_412 = arith.index_cast %select_n3A_393 : i32 to index
      %get3A_413 = arith.index_cast %mul3A_411 : i32 to index
      %get3A_414 = tpu.vector_load %arg9[%get3A_412, %get3A_413] {strides = array<i32>} : memref<79x128xi32, #tpu.memory_space<vmem>>, vector<1x16xi32>,
      %get3A_415 = vector.shape_cast %get3A_414 : vector<1x16xi32> to vector<16xi32>
      %add3A_416 = vector.broadcast %mul3A_0 : i32 to vector<16xi32>
      %add3A_417 = arith.addi %get3A_415, %add3A_416 : vector<16xi32>
      %mul3A_418 = arith.constant 16 : i32
      %mul3A_419 = arith.muli %select_n3A_409, %mul3A_418 : i32
      %swap3A_420 = arith.index_cast %select_n3A_393 : i32 to index
      %swap3A_421 = arith.index_cast %mul3A_419 : i32 to index
      %swap3A_422 = tpu.vector_load %arg9[%swap3A_420, %swap3A_421] {strides = array<i32>} : memref<79x128xi32, #tpu.memory_space<vmem>>, vector<1x16xi32>,
      %swap3A_423 = vector.shape_cast %swap3A_422 : vector<1x16xi32> to vector<16xi32>
      %swap3A_424 = vector.shape_cast %add3A_417 : vector<16xi32> to vector<1x16xi32>
      tpu.vector_store %arg9[%swap3A_420, %swap3A_421], %swap3A_424 {strides = array<i32>} : memref<79x128xi32, #tpu.memory_space<vmem>>, vector<1x16xi32>,
      %scan3A_425 = arith.constant 0 : i32
      %scan3A_426 = arith.constant 7 : i32
      %scan3A_427 = arith.addi %scan3A_33, %scan3A_426 : i32
      %jit3A_428 = arith.constant 8 : i32
      %div3A_429 = arith.divsi %scan3A_427, %jit3A_428 : i32
      %sign3A_430 = arith.constant 0 : i32
      %sign3A_431 = arith.cmpi sgt, %scan3A_427, %sign3A_430 : i32
      %sign3A_432 = arith.extui %sign3A_431 : i1 to i32
      %sign3A_433 = arith.constant 0 : i32
      %sign3A_434 = arith.cmpi slt, %scan3A_427, %sign3A_433 : i32
      %sign3A_435 = arith.extui %sign3A_434 : i1 to i32
      %sign3A_436 = arith.subi %sign3A_432, %sign3A_435 : i32
      %sign3A_437 = arith.constant 0 : i32
      %sign3A_438 = arith.cmpi sgt, %jit3A_428, %sign3A_437 : i32
      %sign3A_439 = arith.extui %sign3A_438 : i1 to i32
      %sign3A_440 = arith.constant 0 : i32
      %sign3A_441 = arith.cmpi slt, %jit3A_428, %sign3A_440 : i32
      %sign3A_442 = arith.extui %sign3A_441 : i1 to i32
      %sign3A_443 = arith.subi %sign3A_439, %sign3A_442 : i32
      %ne3A_444 = arith.cmpi ne, %sign3A_436, %sign3A_443 : i32
      %rem3A_445 = arith.remsi %scan3A_427, %jit3A_428 : i32
      %ne3A_446 = arith.constant 0 : i32
      %ne3A_447 = arith.cmpi ne, %rem3A_445, %ne3A_446 : i32
      %and3A_448 = arith.andi %ne3A_444, %ne3A_447 : i1
      %sub3A_449 = arith.constant 1 : i32
      %sub3A_450 = arith.subi %div3A_429, %sub3A_449 : i32
      %select_n3A_451 = arith.select %and3A_448, %sub3A_450, %div3A_429 : i32
      %jit3A_452 = arith.constant 8 : i32
      %eq3A_453 = arith.constant 0 : i32
      %eq3A_454 = arith.cmpi eq, %jit3A_452, %eq3A_453 : i32
      %jit3A_455 = arith.constant 1 : i32
      %select_n3A_456 = arith.select %eq3A_454, %jit3A_455, %jit3A_452 : i32
      %rem3A_457 = arith.remsi %scan3A_427, %select_n3A_456 : i32
      %ne3A_458 = arith.constant 0 : i32
      %ne3A_459 = arith.cmpi ne, %rem3A_457, %ne3A_458 : i32
      %lt3A_460 = arith.constant 0 : i32
      %lt3A_461 = arith.cmpi slt, %rem3A_457, %lt3A_460 : i32
      %lt3A_462 = arith.constant 0 : i32
      %lt3A_463 = arith.cmpi slt, %select_n3A_456, %lt3A_462 : i32
      %ne3A_464 = arith.xori %lt3A_461, %lt3A_463 : i1
      %and3A_465 = arith.andi %ne3A_464, %ne3A_459 : i1
      %add3A_466 = arith.addi %rem3A_457, %select_n3A_456 : i32
      %select_n3A_467 = arith.select %and3A_465, %add3A_466, %rem3A_457 : i32
      %mul3A_468 = arith.constant 16 : i32
      %mul3A_469 = arith.muli %select_n3A_467, %mul3A_468 : i32
      %get3A_470 = arith.index_cast %select_n3A_451 : i32 to index
      %get3A_471 = arith.index_cast %mul3A_469 : i32 to index
      %get3A_472 = tpu.vector_load %arg9[%get3A_470, %get3A_471] {strides = array<i32>} : memref<79x128xi32, #tpu.memory_space<vmem>>, vector<1x16xi32>,
      %get3A_473 = vector.shape_cast %get3A_472 : vector<1x16xi32> to vector<16xi32>
      %add3A_474 = vector.broadcast %mul3A_0 : i32 to vector<16xi32>
      %add3A_475 = arith.addi %get3A_473, %add3A_474 : vector<16xi32>
      %mul3A_476 = arith.constant 16 : i32
      %mul3A_477 = arith.muli %select_n3A_467, %mul3A_476 : i32
      %swap3A_478 = arith.index_cast %select_n3A_451 : i32 to index
      %swap3A_479 = arith.index_cast %mul3A_477 : i32 to index
      %swap3A_480 = tpu.vector_load %arg9[%swap3A_478, %swap3A_479] {strides = array<i32>} : memref<79x128xi32, #tpu.memory_space<vmem>>, vector<1x16xi32>,
      %swap3A_481 = vector.shape_cast %swap3A_480 : vector<1x16xi32> to vector<16xi32>
      %swap3A_482 = vector.shape_cast %add3A_475 : vector<16xi32> to vector<1x16xi32>
      tpu.vector_store %arg9[%swap3A_478, %swap3A_479], %swap3A_482 {strides = array<i32>} : memref<79x128xi32, #tpu.memory_space<vmem>>, vector<1x16xi32>,
      %scan3A_483 = arith.constant 0 : i32
      scf.yield %scan3A_483 : i32
    }
    %scan3A_6 = arith.constant 632 : i32
    "tpu.region"() ({
      %run_scoped3A = tpu.sem_alloc : memref<!tpu.dma_semaphore, #tpu.memory_space<semaphore_mem>>
      tpu.enqueue_dma source(%arg5 : memref<128x128xf32, #tpu.memory_space<hbm>>) target(%arg11 : memref<128x128xf32, #tpu.memory_space<vmem>>) target_semaphore(%run_scoped3A : memref<!tpu.dma_semaphore, #tpu.memory_space<semaphore_mem>>)
      tpu.wait_dma2 semaphore(%run_scoped3A : memref<!tpu.dma_semaphore, #tpu.memory_space<semaphore_mem>>) src(%arg5 : memref<128x128xf32, #tpu.memory_space<hbm>>) dst(%arg11 : memref<128x128xf32, #tpu.memory_space<vmem>>)
      tpu.yield
    }) : () -> ()
    %scan3A_7 = arith.constant 0 : i32
    %scan3A_8 = arith.constant 0 : i32
    %scan3A_9 = arith.constant 5 : i32
    %scan3A_10 = arith.addi %scan3A_8, %scan3A_9 : i32
    %scan3A_11 = arith.constant 1 : i32
    %scan3A_12 = scf.for %scan3A_33 = %scan3A_8 to %scan3A_10 step %scan3A_11 iter_args(%scan3A_34 = %scan3A_7) -> (i32)  : i32 {
      %mul3A_35 = arith.constant 640 : i32
      %mul3A_36 = arith.muli %arg1, %mul3A_35 : i32
      %mul3A_37 = arith.constant 128 : i32
      %mul3A_38 = arith.muli %scan3A_33, %mul3A_37 : i32
      %add3A = arith.addi %mul3A_36, %mul3A_38 : i32
      "tpu.region"() ({
        %run_scoped3A_45 = tpu.sem_alloc : memref<!tpu.dma_semaphore, #tpu.memory_space<semaphore_mem>>
        %dma_start3A = arith.constant 0 : i32
        %dma_start3A_46 = tpu.memref_slice %arg14[%add3A, %dma_start3A] : memref<10240x128xf32, #tpu.memory_space<vmem_shared>> -> memref<128x128xf32, #tpu.memory_space<vmem_shared>>
        %dma_start3A_47 = arith.constant 0 : i32
        %dma_start3A_48 = tpu.memref_slice %arg14[%add3A, %dma_start3A_47] : memref<10240x128xf32, #tpu.memory_space<vmem_shared>> -> memref<128x128xf32, #tpu.memory_space<vmem_shared>>
        tpu.enqueue_dma source(%arg11 : memref<128x128xf32, #tpu.memory_space<vmem>>) target(%dma_start3A_48 : memref<128x128xf32, #tpu.memory_space<vmem_shared>>) target_semaphore(%run_scoped3A_45 : memref<!tpu.dma_semaphore, #tpu.memory_space<semaphore_mem>>)
        %dma_wait3A = arith.constant 0 : i32
        %dma_wait3A_49 = tpu.memref_slice %arg14[%add3A, %dma_wait3A] : memref<10240x128xf32, #tpu.memory_space<vmem_shared>> -> memref<128x128xf32, #tpu.memory_space<vmem_shared>>
        %dma_wait3A_50 = arith.constant 0 : i32
        %dma_wait3A_51 = tpu.memref_slice %arg14[%add3A, %dma_wait3A_50] : memref<10240x128xf32, #tpu.memory_space<vmem_shared>> -> memref<128x128xf32, #tpu.memory_space<vmem_shared>>
        tpu.wait_dma2 semaphore(%run_scoped3A_45 : memref<!tpu.dma_semaphore, #tpu.memory_space<semaphore_mem>>) src(%arg11 : memref<128x128xf32, #tpu.memory_space<vmem>>) dst(%dma_wait3A_51 : memref<128x128xf32, #tpu.memory_space<vmem_shared>>)
        tpu.yield
      }) : () -> ()
      %mul3A_39 = arith.constant 640 : i32
      %mul3A_40 = arith.muli %arg1, %mul3A_39 : i32
      %mul3A_41 = arith.constant 128 : i32
      %mul3A_42 = arith.muli %scan3A_33, %mul3A_41 : i32
      %add3A_43 = arith.addi %mul3A_40, %mul3A_42 : i32
      %run_scoped3A = arith.constant 0 : i32
      "tpu.region"() ({
        %run_scoped3A_45 = tpu.sem_alloc : memref<!tpu.dma_semaphore, #tpu.memory_space<semaphore_mem>>
        %dma_start3A = arith.constant 0 : i32
        %dma_start3A_46 = tpu.memref_slice %arg11[%run_scoped3A, %dma_start3A] : memref<128x128xf32, #tpu.memory_space<vmem>> -> memref<1x128xf32, #tpu.memory_space<vmem>>
        %dma_start3A_47 = tpu.memref_squeeze %dma_start3A_46 : memref<1x128xf32, #tpu.memory_space<vmem>> -> memref<128xf32, #tpu.memory_space<vmem>>
        %dma_start3A_48 = tpu.memref_slice %arg15[%add3A_43] : memref<10240xf32, #tpu.memory_space<vmem_shared>> -> memref<128xf32, #tpu.memory_space<vmem_shared>>
        %dma_start3A_49 = tpu.memref_slice %arg15[%add3A_43] : memref<10240xf32, #tpu.memory_space<vmem_shared>> -> memref<128xf32, #tpu.memory_space<vmem_shared>>
        %dma_start3A_50 = arith.constant 0 : i32
        %dma_start3A_51 = tpu.memref_slice %arg11[%run_scoped3A, %dma_start3A_50] : memref<128x128xf32, #tpu.memory_space<vmem>> -> memref<1x128xf32, #tpu.memory_space<vmem>>
        %dma_start3A_52 = tpu.memref_squeeze %dma_start3A_51 : memref<1x128xf32, #tpu.memory_space<vmem>> -> memref<128xf32, #tpu.memory_space<vmem>>
        tpu.enqueue_dma source(%dma_start3A_52 : memref<128xf32, #tpu.memory_space<vmem>>) target(%dma_start3A_49 : memref<128xf32, #tpu.memory_space<vmem_shared>>) target_semaphore(%run_scoped3A_45 : memref<!tpu.dma_semaphore, #tpu.memory_space<semaphore_mem>>)
        %dma_wait3A = arith.constant 0 : i32
        %dma_wait3A_53 = tpu.memref_slice %arg11[%run_scoped3A, %dma_wait3A] : memref<128x128xf32, #tpu.memory_space<vmem>> -> memref<1x128xf32, #tpu.memory_space<vmem>>
        %dma_wait3A_54 = tpu.memref_squeeze %dma_wait3A_53 : memref<1x128xf32, #tpu.memory_space<vmem>> -> memref<128xf32, #tpu.memory_space<vmem>>
        %dma_wait3A_55 = tpu.memref_slice %arg15[%add3A_43] : memref<10240xf32, #tpu.memory_space<vmem_shared>> -> memref<128xf32, #tpu.memory_space<vmem_shared>>
        %dma_wait3A_56 = tpu.memref_slice %arg15[%add3A_43] : memref<10240xf32, #tpu.memory_space<vmem_shared>> -> memref<128xf32, #tpu.memory_space<vmem_shared>>
        %dma_wait3A_57 = arith.constant 0 : i32
        %dma_wait3A_58 = tpu.memref_slice %arg11[%run_scoped3A, %dma_wait3A_57] : memref<128x128xf32, #tpu.memory_space<vmem>> -> memref<1x128xf32, #tpu.memory_space<vmem>>
        %dma_wait3A_59 = tpu.memref_squeeze %dma_wait3A_58 : memref<1x128xf32, #tpu.memory_space<vmem>> -> memref<128xf32, #tpu.memory_space<vmem>>
        tpu.wait_dma2 semaphore(%run_scoped3A_45 : memref<!tpu.dma_semaphore, #tpu.memory_space<semaphore_mem>>) src(%dma_wait3A_59 : memref<128xf32, #tpu.memory_space<vmem>>) dst(%dma_wait3A_56 : memref<128xf32, #tpu.memory_space<vmem_shared>>)
        tpu.yield
      }) : () -> ()
      %scan3A_44 = arith.constant 0 : i32
      scf.yield %scan3A_44 : i32
    }
    %scan3A_13 = arith.constant 5 : i32
    %barrier3A = arith.constant 0 : index
    tpu.barrier barrier_id(%barrier3A)
    %scan3A_14 = arith.constant 0 : i32
    %scan3A_15 = arith.constant 0 : i32
    %scan3A_16 = arith.constant 79 : i32
    %scan3A_17 = arith.addi %scan3A_15, %scan3A_16 : i32
    %scan3A_18 = arith.constant 1 : i32
    %scan3A_19 = scf.for %scan3A_33 = %scan3A_15 to %scan3A_17 step %scan3A_18 iter_args(%scan3A_34 = %scan3A_14) -> (i32)  : i32 {
      %dma_start3A = arith.constant 0 : i32
      %dma_start3A_35 = tpu.memref_slice %arg9[%scan3A_33, %dma_start3A] : memref<79x128xi32, #tpu.memory_space<vmem>> -> memref<1x128xi32, #tpu.memory_space<vmem>>
      %dma_start3A_36 = tpu.memref_squeeze %dma_start3A_35 : memref<1x128xi32, #tpu.memory_space<vmem>> -> memref<128xi32, #tpu.memory_space<vmem>>
      %dma_start3A_37 = arith.constant 0 : i32
      %dma_start3A_38 = arith.constant 0 : i32
      %dma_start3A_39 = tpu.memref_slice %arg2[%dma_start3A_37, %dma_start3A_38] : memref<20480x128xf32, #tpu.memory_space<hbm>> -> memref<20480x128xf32, #tpu.memory_space<hbm>>
      tpu.enqueue_indirect_dma source(%dma_start3A_39 : memref<20480x128xf32, #tpu.memory_space<hbm>>) target(%arg11 : memref<128x128xf32, #tpu.memory_space<vmem>>) offsets(%dma_start3A_36 : memref<128xi32, #tpu.memory_space<vmem>>) semaphore(%arg16 : memref<!tpu.dma_semaphore, #tpu.memory_space<semaphore_mem>>)
      %dma_wait3A = arith.constant 0 : i32
      %dma_wait3A_40 = tpu.memref_slice %arg9[%scan3A_33, %dma_wait3A] : memref<79x128xi32, #tpu.memory_space<vmem>> -> memref<1x128xi32, #tpu.memory_space<vmem>>
      %dma_wait3A_41 = tpu.memref_squeeze %dma_wait3A_40 : memref<1x128xi32, #tpu.memory_space<vmem>> -> memref<128xi32, #tpu.memory_space<vmem>>
      %dma_wait3A_42 = arith.constant 0 : i32
      %dma_wait3A_43 = arith.constant 0 : i32
      %dma_wait3A_44 = tpu.memref_slice %arg2[%dma_wait3A_42, %dma_wait3A_43] : memref<20480x128xf32, #tpu.memory_space<hbm>> -> memref<20480x128xf32, #tpu.memory_space<hbm>>
      tpu.wait_indirect_dma semaphore(%arg16 : memref<!tpu.dma_semaphore, #tpu.memory_space<semaphore_mem>>) src(%dma_wait3A_44 : memref<20480x128xf32, #tpu.memory_space<hbm>>) dst(%arg11 : memref<128x128xf32, #tpu.memory_space<vmem>>)
      "tpu.region"() ({
        %run_scoped3A = tpu.sem_alloc : memref<!tpu.dma_semaphore, #tpu.memory_space<semaphore_mem>>
        %dma_start3A_46 = arith.constant 0 : i32
        %dma_start3A_47 = tpu.memref_slice %arg10[%scan3A_33, %dma_start3A_46] : memref<79x128xi32, #tpu.memory_space<vmem>> -> memref<1x128xi32, #tpu.memory_space<vmem>>
        %dma_start3A_48 = tpu.memref_squeeze %dma_start3A_47 : memref<1x128xi32, #tpu.memory_space<vmem>> -> memref<128xi32, #tpu.memory_space<vmem>>
        %dma_start3A_49 = arith.constant 0 : i32
        %dma_start3A_50 = arith.constant 0 : i32
        %dma_start3A_51 = tpu.memref_slice %arg14[%dma_start3A_49, %dma_start3A_50] : memref<10240x128xf32, #tpu.memory_space<vmem_shared>> -> memref<10240x128xf32, #tpu.memory_space<vmem_shared>>
        tpu.enqueue_indirect_dma source(%arg11 : memref<128x128xf32, #tpu.memory_space<vmem>>) target(%dma_start3A_51 : memref<10240x128xf32, #tpu.memory_space<vmem_shared>>) offsets(%dma_start3A_48 : memref<128xi32, #tpu.memory_space<vmem>>) semaphore(%run_scoped3A : memref<!tpu.dma_semaphore, #tpu.memory_space<semaphore_mem>>) {add = true}
        %dma_wait3A_52 = arith.constant 0 : i32
        %dma_wait3A_53 = tpu.memref_slice %arg10[%scan3A_33, %dma_wait3A_52] : memref<79x128xi32, #tpu.memory_space<vmem>> -> memref<1x128xi32, #tpu.memory_space<vmem>>
        %dma_wait3A_54 = tpu.memref_squeeze %dma_wait3A_53 : memref<1x128xi32, #tpu.memory_space<vmem>> -> memref<128xi32, #tpu.memory_space<vmem>>
        %dma_wait3A_55 = arith.constant 0 : i32
        %dma_wait3A_56 = arith.constant 0 : i32
        %dma_wait3A_57 = tpu.memref_slice %arg14[%dma_wait3A_55, %dma_wait3A_56] : memref<10240x128xf32, #tpu.memory_space<vmem_shared>> -> memref<10240x128xf32, #tpu.memory_space<vmem_shared>>
        tpu.wait_indirect_dma semaphore(%run_scoped3A : memref<!tpu.dma_semaphore, #tpu.memory_space<semaphore_mem>>) src(%arg11 : memref<128x128xf32, #tpu.memory_space<vmem>>) dst(%dma_wait3A_57 : memref<10240x128xf32, #tpu.memory_space<vmem_shared>>)
        tpu.yield
      }) : () -> ()
      "tpu.region"() ({
        %run_scoped3A = tpu.sem_alloc : memref<!tpu.dma_semaphore, #tpu.memory_space<semaphore_mem>>
        %dma_start3A_46 = arith.constant 0 : i32
        %dma_start3A_47 = tpu.memref_slice %arg10[%scan3A_33, %dma_start3A_46] : memref<79x128xi32, #tpu.memory_space<vmem>> -> memref<1x128xi32, #tpu.memory_space<vmem>>
        %dma_start3A_48 = tpu.memref_squeeze %dma_start3A_47 : memref<1x128xi32, #tpu.memory_space<vmem>> -> memref<128xi32, #tpu.memory_space<vmem>>
        %dma_start3A_49 = arith.constant 0 : i32
        %dma_start3A_50 = tpu.memref_slice %arg15[%dma_start3A_49] : memref<10240xf32, #tpu.memory_space<vmem_shared>> -> memref<10240xf32, #tpu.memory_space<vmem_shared>>
        tpu.enqueue_indirect_dma source(%arg12 : memref<128xf32, #tpu.memory_space<vmem>>) target(%dma_start3A_50 : memref<10240xf32, #tpu.memory_space<vmem_shared>>) offsets(%dma_start3A_48 : memref<128xi32, #tpu.memory_space<vmem>>) semaphore(%run_scoped3A : memref<!tpu.dma_semaphore, #tpu.memory_space<semaphore_mem>>) {add = true}
        %dma_wait3A_51 = arith.constant 0 : i32
        %dma_wait3A_52 = tpu.memref_slice %arg10[%scan3A_33, %dma_wait3A_51] : memref<79x128xi32, #tpu.memory_space<vmem>> -> memref<1x128xi32, #tpu.memory_space<vmem>>
        %dma_wait3A_53 = tpu.memref_squeeze %dma_wait3A_52 : memref<1x128xi32, #tpu.memory_space<vmem>> -> memref<128xi32, #tpu.memory_space<vmem>>
        %dma_wait3A_54 = arith.constant 0 : i32
        %dma_wait3A_55 = tpu.memref_slice %arg15[%dma_wait3A_54] : memref<10240xf32, #tpu.memory_space<vmem_shared>> -> memref<10240xf32, #tpu.memory_space<vmem_shared>>
        tpu.wait_indirect_dma semaphore(%run_scoped3A : memref<!tpu.dma_semaphore, #tpu.memory_space<semaphore_mem>>) src(%arg12 : memref<128xf32, #tpu.memory_space<vmem>>) dst(%dma_wait3A_55 : memref<10240xf32, #tpu.memory_space<vmem_shared>>)
        tpu.yield
      }) : () -> ()
      %scan3A_45 = arith.constant 0 : i32
      scf.yield %scan3A_45 : i32
    }
    %scan3A_20 = arith.constant 79 : i32
    %barrier3A_21 = arith.constant 0 : index
    tpu.barrier barrier_id(%barrier3A_21)
    %scan3A_22 = arith.constant 0 : i32
    %scan3A_23 = arith.constant 0 : i32
    %scan3A_24 = arith.constant 5 : i32
    %scan3A_25 = arith.addi %scan3A_23, %scan3A_24 : i32
    %scan3A_26 = arith.constant 1 : i32
    %scan3A_27 = scf.for %scan3A_33 = %scan3A_23 to %scan3A_25 step %scan3A_26 iter_args(%scan3A_34 = %scan3A_22) -> (i32)  : i32 {
      %mul3A_35 = arith.constant 640 : i32
      %mul3A_36 = arith.muli %arg1, %mul3A_35 : i32
      %mul3A_37 = arith.constant 128 : i32
      %mul3A_38 = arith.muli %scan3A_33, %mul3A_37 : i32
      %add3A = arith.addi %mul3A_36, %mul3A_38 : i32
      "tpu.region"() ({
        %run_scoped3A = tpu.sem_alloc : memref<!tpu.dma_semaphore, #tpu.memory_space<semaphore_mem>>
        %dma_start3A = arith.constant 0 : i32
        %dma_start3A_43 = tpu.memref_slice %arg14[%add3A, %dma_start3A] : memref<10240x128xf32, #tpu.memory_space<vmem_shared>> -> memref<128x128xf32, #tpu.memory_space<vmem_shared>>
        %dma_start3A_44 = arith.constant 0 : i32
        %dma_start3A_45 = tpu.memref_slice %arg14[%add3A, %dma_start3A_44] : memref<10240x128xf32, #tpu.memory_space<vmem_shared>> -> memref<128x128xf32, #tpu.memory_space<vmem_shared>>
        tpu.enqueue_dma source(%dma_start3A_45 : memref<128x128xf32, #tpu.memory_space<vmem_shared>>) target(%arg11 : memref<128x128xf32, #tpu.memory_space<vmem>>) target_semaphore(%run_scoped3A : memref<!tpu.dma_semaphore, #tpu.memory_space<semaphore_mem>>)
        %dma_wait3A = arith.constant 0 : i32
        %dma_wait3A_46 = tpu.memref_slice %arg14[%add3A, %dma_wait3A] : memref<10240x128xf32, #tpu.memory_space<vmem_shared>> -> memref<128x128xf32, #tpu.memory_space<vmem_shared>>
        %dma_wait3A_47 = arith.constant 0 : i32
        %dma_wait3A_48 = tpu.memref_slice %arg14[%add3A, %dma_wait3A_47] : memref<10240x128xf32, #tpu.memory_space<vmem_shared>> -> memref<128x128xf32, #tpu.memory_space<vmem_shared>>
        tpu.wait_dma2 semaphore(%run_scoped3A : memref<!tpu.dma_semaphore, #tpu.memory_space<semaphore_mem>>) src(%dma_wait3A_48 : memref<128x128xf32, #tpu.memory_space<vmem_shared>>) dst(%arg11 : memref<128x128xf32, #tpu.memory_space<vmem>>)
        tpu.yield
      }) : () -> ()
      %mul3A_39 = arith.constant 10240 : i32
      %mul3A_40 = arith.muli %arg0, %mul3A_39 : i32
      %add3A_41 = arith.addi %mul3A_40, %add3A : i32
      "tpu.region"() ({
        %run_scoped3A = tpu.sem_alloc : memref<!tpu.dma_semaphore, #tpu.memory_space<semaphore_mem>>
        %dma_start3A = arith.constant 0 : i32
        %dma_start3A_43 = tpu.memref_slice %arg7[%add3A_41, %dma_start3A] : memref<20480x128xf32, #tpu.memory_space<hbm>> -> memref<128x128xf32, #tpu.memory_space<hbm>>
        %dma_start3A_44 = arith.constant 0 : i32
        %dma_start3A_45 = tpu.memref_slice %arg7[%add3A_41, %dma_start3A_44] : memref<20480x128xf32, #tpu.memory_space<hbm>> -> memref<128x128xf32, #tpu.memory_space<hbm>>
        tpu.enqueue_dma source(%arg11 : memref<128x128xf32, #tpu.memory_space<vmem>>) target(%dma_start3A_45 : memref<128x128xf32, #tpu.memory_space<hbm>>) target_semaphore(%run_scoped3A : memref<!tpu.dma_semaphore, #tpu.memory_space<semaphore_mem>>)
        %dma_wait3A = arith.constant 0 : i32
        %dma_wait3A_46 = tpu.memref_slice %arg7[%add3A_41, %dma_wait3A] : memref<20480x128xf32, #tpu.memory_space<hbm>> -> memref<128x128xf32, #tpu.memory_space<hbm>>
        %dma_wait3A_47 = arith.constant 0 : i32
        %dma_wait3A_48 = tpu.memref_slice %arg7[%add3A_41, %dma_wait3A_47] : memref<20480x128xf32, #tpu.memory_space<hbm>> -> memref<128x128xf32, #tpu.memory_space<hbm>>
        tpu.wait_dma2 semaphore(%run_scoped3A : memref<!tpu.dma_semaphore, #tpu.memory_space<semaphore_mem>>) src(%arg11 : memref<128x128xf32, #tpu.memory_space<vmem>>) dst(%dma_wait3A_48 : memref<128x128xf32, #tpu.memory_space<hbm>>)
        tpu.yield
      }) : () -> ()
      %scan3A_42 = arith.constant 0 : i32
      scf.yield %scan3A_42 : i32
    }
    %scan3A_28 = arith.constant 5 : i32
    %mul3A_29 = arith.constant 640 : i32
    %mul3A_30 = arith.muli %arg1, %mul3A_29 : i32
    "tpu.region"() ({
      %run_scoped3A = tpu.sem_alloc : memref<!tpu.dma_semaphore, #tpu.memory_space<semaphore_mem>>
      %dma_start3A = tpu.memref_slice %arg15[%mul3A_30] : memref<10240xf32, #tpu.memory_space<vmem_shared>> -> memref<640xf32, #tpu.memory_space<vmem_shared>>
      %dma_start3A_33 = tpu.memref_slice %arg15[%mul3A_30] : memref<10240xf32, #tpu.memory_space<vmem_shared>> -> memref<640xf32, #tpu.memory_space<vmem_shared>>
      tpu.enqueue_dma source(%dma_start3A_33 : memref<640xf32, #tpu.memory_space<vmem_shared>>) target(%arg13 : memref<640xf32, #tpu.memory_space<vmem>>) target_semaphore(%run_scoped3A : memref<!tpu.dma_semaphore, #tpu.memory_space<semaphore_mem>>)
      %dma_wait3A = tpu.memref_slice %arg15[%mul3A_30] : memref<10240xf32, #tpu.memory_space<vmem_shared>> -> memref<640xf32, #tpu.memory_space<vmem_shared>>
      %dma_wait3A_34 = tpu.memref_slice %arg15[%mul3A_30] : memref<10240xf32, #tpu.memory_space<vmem_shared>> -> memref<640xf32, #tpu.memory_space<vmem_shared>>
      tpu.wait_dma2 semaphore(%run_scoped3A : memref<!tpu.dma_semaphore, #tpu.memory_space<semaphore_mem>>) src(%dma_wait3A_34 : memref<640xf32, #tpu.memory_space<vmem_shared>>) dst(%arg13 : memref<640xf32, #tpu.memory_space<vmem>>)
      tpu.yield
    }) : () -> ()
    %mul3A_31 = arith.constant 640 : i32
    %mul3A_32 = arith.muli %arg1, %mul3A_31 : i32
    "tpu.region"() ({
      %run_scoped3A = tpu.sem_alloc : memref<!tpu.dma_semaphore, #tpu.memory_space<semaphore_mem>>
      %dma_start3A = arith.constant 0 : i32
      %dma_start3A_33 = tpu.memref_slice %arg8[%arg0, %dma_start3A] : memref<2x10240xf32, #tpu.memory_space<hbm>> -> memref<1x10240xf32, #tpu.memory_space<hbm>>
      %dma_start3A_34 = tpu.memref_squeeze %dma_start3A_33 : memref<1x10240xf32, #tpu.memory_space<hbm>> -> memref<10240xf32, #tpu.memory_space<hbm>>
      %dma_start3A_35 = tpu.memref_slice %dma_start3A_34[%mul3A_32] : memref<10240xf32, #tpu.memory_space<hbm>> -> memref<640xf32, #tpu.memory_space<hbm>>
      %dma_start3A_36 = arith.constant 0 : i32
      %dma_start3A_37 = tpu.memref_slice %arg8[%arg0, %dma_start3A_36] : memref<2x10240xf32, #tpu.memory_space<hbm>> -> memref<1x10240xf32, #tpu.memory_space<hbm>>
      %dma_start3A_38 = tpu.memref_squeeze %dma_start3A_37 : memref<1x10240xf32, #tpu.memory_space<hbm>> -> memref<10240xf32, #tpu.memory_space<hbm>>
      %dma_start3A_39 = tpu.memref_slice %dma_start3A_38[%mul3A_32] : memref<10240xf32, #tpu.memory_space<hbm>> -> memref<640xf32, #tpu.memory_space<hbm>>
      tpu.enqueue_dma source(%arg13 : memref<640xf32, #tpu.memory_space<vmem>>) target(%dma_start3A_39 : memref<640xf32, #tpu.memory_space<hbm>>) target_semaphore(%run_scoped3A : memref<!tpu.dma_semaphore, #tpu.memory_space<semaphore_mem>>)
      %dma_wait3A = arith.constant 0 : i32
      %dma_wait3A_40 = tpu.memref_slice %arg8[%arg0, %dma_wait3A] : memref<2x10240xf32, #tpu.memory_space<hbm>> -> memref<1x10240xf32, #tpu.memory_space<hbm>>
      %dma_wait3A_41 = tpu.memref_squeeze %dma_wait3A_40 : memref<1x10240xf32, #tpu.memory_space<hbm>> -> memref<10240xf32, #tpu.memory_space<hbm>>
      %dma_wait3A_42 = tpu.memref_slice %dma_wait3A_41[%mul3A_32] : memref<10240xf32, #tpu.memory_space<hbm>> -> memref<640xf32, #tpu.memory_space<hbm>>
      %dma_wait3A_43 = arith.constant 0 : i32
      %dma_wait3A_44 = tpu.memref_slice %arg8[%arg0, %dma_wait3A_43] : memref<2x10240xf32, #tpu.memory_space<hbm>> -> memref<1x10240xf32, #tpu.memory_space<hbm>>
      %dma_wait3A_45 = tpu.memref_squeeze %dma_wait3A_44 : memref<1x10240xf32, #tpu.memory_space<hbm>> -> memref<10240xf32, #tpu.memory_space<hbm>>
      %dma_wait3A_46 = tpu.memref_slice %dma_wait3A_45[%mul3A_32] : memref<10240xf32, #tpu.memory_space<hbm>> -> memref<640xf32, #tpu.memory_space<hbm>>
      tpu.wait_dma2 semaphore(%run_scoped3A : memref<!tpu.dma_semaphore, #tpu.memory_space<semaphore_mem>>) src(%arg13 : memref<640xf32, #tpu.memory_space<vmem>>) dst(%dma_wait3A_46 : memref<640xf32, #tpu.memory_space<hbm>>)
      tpu.yield
    }) : () -> ()
    return
  }
}

#map = affine_map<(d0, d1) -> (0, 0)>
#map1 = affine_map<(d0, d1) -> (0, 0, 0)>
#map2 = affine_map<(d0, d1) -> (0)>
module attributes {stable_mosaic.version = 14 : i64} {
  func.func @_sc_agg_body(%arg0: i32, %arg1: i32, %arg2: memref<20480x128xf32, #tpu.memory_space<hbm>>, %arg3: memref<16x79x128xi32, #tpu.memory_space<hbm>>, %arg4: memref<16x79x128xi32, #tpu.memory_space<hbm>>, %arg5: memref<128x128xf32, #tpu.memory_space<hbm>>, %arg6: memref<128xf32, #tpu.memory_space<hbm>>, %arg7: memref<20480x128xf32, #tpu.memory_space<hbm>>, %arg8: memref<2x10240xf32, #tpu.memory_space<hbm>>, %arg9: memref<79x128xi32, #tpu.memory_space<vmem>>, %arg10: memref<79x128xi32, #tpu.memory_space<vmem>>, %arg11: memref<128x128xf32, #tpu.memory_space<vmem>>, %arg12: memref<128xf32, #tpu.memory_space<vmem>>, %arg13: memref<640xf32, #tpu.memory_space<vmem>>, %arg14: memref<10240x128xf32, #tpu.memory_space<vmem_shared>>, %arg15: memref<10240xf32, #tpu.memory_space<vmem_shared>>, %arg16: memref<!tpu.dma_semaphore, #tpu.memory_space<semaphore_mem>>) attributes {dimension_semantics = [#tpu.dimension_semantics<core_parallel>, #tpu.dimension_semantics<subcore_parallel>], iteration_bounds = array<i64: 2, 16>, scalar_prefetch = 0 : i64, scratch_operands = 8 : i64, tpu.core_type = #tpu.core_type<sc_vector_subcore>, window_params = [{transform_indices = #map}, {transform_indices = #map1}, {transform_indices = #map1}, {transform_indices = #map}, {transform_indices = #map2}, {transform_indices = #map}, {transform_indices = #map}]} {
    "tpu.region"() ({
      %run_scoped3A = tpu.sem_alloc : memref<!tpu.dma_semaphore, #tpu.memory_space<semaphore_mem>>
      %dma_start3A = arith.constant 0 : i32
      %dma_start3A_33 = arith.constant 0 : i32
      %dma_start3A_34 = tpu.memref_slice %arg3[%arg1, %dma_start3A, %dma_start3A_33] : memref<16x79x128xi32, #tpu.memory_space<hbm>> -> memref<1x79x128xi32, #tpu.memory_space<hbm>>
      %dma_start3A_35 = tpu.memref_squeeze %dma_start3A_34 : memref<1x79x128xi32, #tpu.memory_space<hbm>> -> memref<79x128xi32, #tpu.memory_space<hbm>>
      %dma_start3A_36 = arith.constant 0 : i32
      %dma_start3A_37 = arith.constant 0 : i32
      %dma_start3A_38 = tpu.memref_slice %arg3[%arg1, %dma_start3A_36, %dma_start3A_37] : memref<16x79x128xi32, #tpu.memory_space<hbm>> -> memref<1x79x128xi32, #tpu.memory_space<hbm>>
      %dma_start3A_39 = tpu.memref_squeeze %dma_start3A_38 : memref<1x79x128xi32, #tpu.memory_space<hbm>> -> memref<79x128xi32, #tpu.memory_space<hbm>>
      tpu.enqueue_dma source(%dma_start3A_39 : memref<79x128xi32, #tpu.memory_space<hbm>>) target(%arg9 : memref<79x128xi32, #tpu.memory_space<vmem>>) target_semaphore(%run_scoped3A : memref<!tpu.dma_semaphore, #tpu.memory_space<semaphore_mem>>)
      %dma_wait3A = arith.constant 0 : i32
      %dma_wait3A_40 = arith.constant 0 : i32
      %dma_wait3A_41 = tpu.memref_slice %arg3[%arg1, %dma_wait3A, %dma_wait3A_40] : memref<16x79x128xi32, #tpu.memory_space<hbm>> -> memref<1x79x128xi32, #tpu.memory_space<hbm>>
      %dma_wait3A_42 = tpu.memref_squeeze %dma_wait3A_41 : memref<1x79x128xi32, #tpu.memory_space<hbm>> -> memref<79x128xi32, #tpu.memory_space<hbm>>
      %dma_wait3A_43 = arith.constant 0 : i32
      %dma_wait3A_44 = arith.constant 0 : i32
      %dma_wait3A_45 = tpu.memref_slice %arg3[%arg1, %dma_wait3A_43, %dma_wait3A_44] : memref<16x79x128xi32, #tpu.memory_space<hbm>> -> memref<1x79x128xi32, #tpu.memory_space<hbm>>
      %dma_wait3A_46 = tpu.memref_squeeze %dma_wait3A_45 : memref<1x79x128xi32, #tpu.memory_space<hbm>> -> memref<79x128xi32, #tpu.memory_space<hbm>>
      tpu.wait_dma2 semaphore(%run_scoped3A : memref<!tpu.dma_semaphore, #tpu.memory_space<semaphore_mem>>) src(%dma_wait3A_46 : memref<79x128xi32, #tpu.memory_space<hbm>>) dst(%arg9 : memref<79x128xi32, #tpu.memory_space<vmem>>)
      tpu.yield
    }) : () -> ()
    "tpu.region"() ({
      %run_scoped3A = tpu.sem_alloc : memref<!tpu.dma_semaphore, #tpu.memory_space<semaphore_mem>>
      %dma_start3A = arith.constant 0 : i32
      %dma_start3A_33 = arith.constant 0 : i32
      %dma_start3A_34 = tpu.memref_slice %arg4[%arg1, %dma_start3A, %dma_start3A_33] : memref<16x79x128xi32, #tpu.memory_space<hbm>> -> memref<1x79x128xi32, #tpu.memory_space<hbm>>
      %dma_start3A_35 = tpu.memref_squeeze %dma_start3A_34 : memref<1x79x128xi32, #tpu.memory_space<hbm>> -> memref<79x128xi32, #tpu.memory_space<hbm>>
      %dma_start3A_36 = arith.constant 0 : i32
      %dma_start3A_37 = arith.constant 0 : i32
      %dma_start3A_38 = tpu.memref_slice %arg4[%arg1, %dma_start3A_36, %dma_start3A_37] : memref<16x79x128xi32, #tpu.memory_space<hbm>> -> memref<1x79x128xi32, #tpu.memory_space<hbm>>
      %dma_start3A_39 = tpu.memref_squeeze %dma_start3A_38 : memref<1x79x128xi32, #tpu.memory_space<hbm>> -> memref<79x128xi32, #tpu.memory_space<hbm>>
      tpu.enqueue_dma source(%dma_start3A_39 : memref<79x128xi32, #tpu.memory_space<hbm>>) target(%arg10 : memref<79x128xi32, #tpu.memory_space<vmem>>) target_semaphore(%run_scoped3A : memref<!tpu.dma_semaphore, #tpu.memory_space<semaphore_mem>>)
      %dma_wait3A = arith.constant 0 : i32
      %dma_wait3A_40 = arith.constant 0 : i32
      %dma_wait3A_41 = tpu.memref_slice %arg4[%arg1, %dma_wait3A, %dma_wait3A_40] : memref<16x79x128xi32, #tpu.memory_space<hbm>> -> memref<1x79x128xi32, #tpu.memory_space<hbm>>
      %dma_wait3A_42 = tpu.memref_squeeze %dma_wait3A_41 : memref<1x79x128xi32, #tpu.memory_space<hbm>> -> memref<79x128xi32, #tpu.memory_space<hbm>>
      %dma_wait3A_43 = arith.constant 0 : i32
      %dma_wait3A_44 = arith.constant 0 : i32
      %dma_wait3A_45 = tpu.memref_slice %arg4[%arg1, %dma_wait3A_43, %dma_wait3A_44] : memref<16x79x128xi32, #tpu.memory_space<hbm>> -> memref<1x79x128xi32, #tpu.memory_space<hbm>>
      %dma_wait3A_46 = tpu.memref_squeeze %dma_wait3A_45 : memref<1x79x128xi32, #tpu.memory_space<hbm>> -> memref<79x128xi32, #tpu.memory_space<hbm>>
      tpu.wait_dma2 semaphore(%run_scoped3A : memref<!tpu.dma_semaphore, #tpu.memory_space<semaphore_mem>>) src(%dma_wait3A_46 : memref<79x128xi32, #tpu.memory_space<hbm>>) dst(%arg10 : memref<79x128xi32, #tpu.memory_space<vmem>>)
      tpu.yield
    }) : () -> ()
    "tpu.region"() ({
      %run_scoped3A = tpu.sem_alloc : memref<!tpu.dma_semaphore, #tpu.memory_space<semaphore_mem>>
      tpu.enqueue_dma source(%arg6 : memref<128xf32, #tpu.memory_space<hbm>>) target(%arg12 : memref<128xf32, #tpu.memory_space<vmem>>) target_semaphore(%run_scoped3A : memref<!tpu.dma_semaphore, #tpu.memory_space<semaphore_mem>>)
      tpu.wait_dma2 semaphore(%run_scoped3A : memref<!tpu.dma_semaphore, #tpu.memory_space<semaphore_mem>>) src(%arg6 : memref<128xf32, #tpu.memory_space<hbm>>) dst(%arg12 : memref<128xf32, #tpu.memory_space<vmem>>)
      tpu.yield
    }) : () -> ()
    %mul3A = arith.constant 10240 : i32
    %mul3A_0 = arith.muli %arg0, %mul3A : i32
    %scan3A = arith.constant 0 : i32
    %scan3A_1 = arith.constant 0 : i32
    %scan3A_2 = arith.constant 632 : i32
    %scan3A_3 = arith.addi %scan3A_1, %scan3A_2 : i32
    %scan3A_4 = arith.constant 8 : i32
    %scan3A_5 = scf.for %scan3A_33 = %scan3A_1 to %scan3A_3 step %scan3A_4 iter_args(%scan3A_34 = %scan3A) -> (i32)  : i32 {
      %jit3A = arith.constant 8 : i32
      %div3A = arith.divsi %scan3A_33, %jit3A : i32
      %sign3A = arith.constant 0 : i32
      %sign3A_35 = arith.cmpi sgt, %scan3A_33, %sign3A : i32
      %sign3A_36 = arith.extui %sign3A_35 : i1 to i32
      %sign3A_37 = arith.constant 0 : i32
      %sign3A_38 = arith.cmpi slt, %scan3A_33, %sign3A_37 : i32
      %sign3A_39 = arith.extui %sign3A_38 : i1 to i32
      %sign3A_40 = arith.subi %sign3A_36, %sign3A_39 : i32
      %sign3A_41 = arith.constant 0 : i32
      %sign3A_42 = arith.cmpi sgt, %jit3A, %sign3A_41 : i32
      %sign3A_43 = arith.extui %sign3A_42 : i1 to i32
      %sign3A_44 = arith.constant 0 : i32
      %sign3A_45 = arith.cmpi slt, %jit3A, %sign3A_44 : i32
      %sign3A_46 = arith.extui %sign3A_45 : i1 to i32
      %sign3A_47 = arith.subi %sign3A_43, %sign3A_46 : i32
      %ne3A = arith.cmpi ne, %sign3A_40, %sign3A_47 : i32
      %rem3A = arith.remsi %scan3A_33, %jit3A : i32
      %ne3A_48 = arith.constant 0 : i32
      %ne3A_49 = arith.cmpi ne, %rem3A, %ne3A_48 : i32
      %and3A = arith.andi %ne3A, %ne3A_49 : i1
      %sub3A = arith.constant 1 : i32
      %sub3A_50 = arith.subi %div3A, %sub3A : i32
      %select_n3A = arith.select %and3A, %sub3A_50, %div3A : i32
      %jit3A_51 = arith.constant 8 : i32
      %eq3A = arith.constant 0 : i32
      %eq3A_52 = arith.cmpi eq, %jit3A_51, %eq3A : i32
      %jit3A_53 = arith.constant 1 : i32
      %select_n3A_54 = arith.select %eq3A_52, %jit3A_53, %jit3A_51 : i32
      %rem3A_55 = arith.remsi %scan3A_33, %select_n3A_54 : i32
      %ne3A_56 = arith.constant 0 : i32
      %ne3A_57 = arith.cmpi ne, %rem3A_55, %ne3A_56 : i32
      %lt3A = arith.constant 0 : i32
      %lt3A_58 = arith.cmpi slt, %rem3A_55, %lt3A : i32
      %lt3A_59 = arith.constant 0 : i32
      %lt3A_60 = arith.cmpi slt, %select_n3A_54, %lt3A_59 : i32
      %ne3A_61 = arith.xori %lt3A_58, %lt3A_60 : i1
      %and3A_62 = arith.andi %ne3A_61, %ne3A_57 : i1
      %add3A = arith.addi %rem3A_55, %select_n3A_54 : i32
      %select_n3A_63 = arith.select %and3A_62, %add3A, %rem3A_55 : i32
      %mul3A_64 = arith.constant 16 : i32
      %mul3A_65 = arith.muli %select_n3A_63, %mul3A_64 : i32
      %get3A = arith.index_cast %select_n3A : i32 to index
      %get3A_66 = arith.index_cast %mul3A_65 : i32 to index
      %get3A_67 = tpu.vector_load %arg9[%get3A, %get3A_66] {strides = array<i32>} : memref<79x128xi32, #tpu.memory_space<vmem>>, vector<1x16xi32>,
      %get3A_68 = vector.shape_cast %get3A_67 : vector<1x16xi32> to vector<16xi32>
      %add3A_69 = vector.broadcast %mul3A_0 : i32 to vector<16xi32>
      %add3A_70 = arith.addi %get3A_68, %add3A_69 : vector<16xi32>
      %mul3A_71 = arith.constant 16 : i32
      %mul3A_72 = arith.muli %select_n3A_63, %mul3A_71 : i32
      %swap3A = arith.index_cast %select_n3A : i32 to index
      %swap3A_73 = arith.index_cast %mul3A_72 : i32 to index
      %swap3A_74 = tpu.vector_load %arg9[%swap3A, %swap3A_73] {strides = array<i32>} : memref<79x128xi32, #tpu.memory_space<vmem>>, vector<1x16xi32>,
      %swap3A_75 = vector.shape_cast %swap3A_74 : vector<1x16xi32> to vector<16xi32>
      %swap3A_76 = vector.shape_cast %add3A_70 : vector<16xi32> to vector<1x16xi32>
      tpu.vector_store %arg9[%swap3A, %swap3A_73], %swap3A_76 {strides = array<i32>} : memref<79x128xi32, #tpu.memory_space<vmem>>, vector<1x16xi32>,
      %scan3A_77 = arith.constant 0 : i32
      %scan3A_78 = arith.constant 1 : i32
      %scan3A_79 = arith.addi %scan3A_33, %scan3A_78 : i32
      %jit3A_80 = arith.constant 8 : i32
      %div3A_81 = arith.divsi %scan3A_79, %jit3A_80 : i32
      %sign3A_82 = arith.constant 0 : i32
      %sign3A_83 = arith.cmpi sgt, %scan3A_79, %sign3A_82 : i32
      %sign3A_84 = arith.extui %sign3A_83 : i1 to i32
      %sign3A_85 = arith.constant 0 : i32
      %sign3A_86 = arith.cmpi slt, %scan3A_79, %sign3A_85 : i32
      %sign3A_87 = arith.extui %sign3A_86 : i1 to i32
      %sign3A_88 = arith.subi %sign3A_84, %sign3A_87 : i32
      %sign3A_89 = arith.constant 0 : i32
      %sign3A_90 = arith.cmpi sgt, %jit3A_80, %sign3A_89 : i32
      %sign3A_91 = arith.extui %sign3A_90 : i1 to i32
      %sign3A_92 = arith.constant 0 : i32
      %sign3A_93 = arith.cmpi slt, %jit3A_80, %sign3A_92 : i32
      %sign3A_94 = arith.extui %sign3A_93 : i1 to i32
      %sign3A_95 = arith.subi %sign3A_91, %sign3A_94 : i32
      %ne3A_96 = arith.cmpi ne, %sign3A_88, %sign3A_95 : i32
      %rem3A_97 = arith.remsi %scan3A_79, %jit3A_80 : i32
      %ne3A_98 = arith.constant 0 : i32
      %ne3A_99 = arith.cmpi ne, %rem3A_97, %ne3A_98 : i32
      %and3A_100 = arith.andi %ne3A_96, %ne3A_99 : i1
      %sub3A_101 = arith.constant 1 : i32
      %sub3A_102 = arith.subi %div3A_81, %sub3A_101 : i32
      %select_n3A_103 = arith.select %and3A_100, %sub3A_102, %div3A_81 : i32
      %jit3A_104 = arith.constant 8 : i32
      %eq3A_105 = arith.constant 0 : i32
      %eq3A_106 = arith.cmpi eq, %jit3A_104, %eq3A_105 : i32
      %jit3A_107 = arith.constant 1 : i32
      %select_n3A_108 = arith.select %eq3A_106, %jit3A_107, %jit3A_104 : i32
      %rem3A_109 = arith.remsi %scan3A_79, %select_n3A_108 : i32
      %ne3A_110 = arith.constant 0 : i32
      %ne3A_111 = arith.cmpi ne, %rem3A_109, %ne3A_110 : i32
      %lt3A_112 = arith.constant 0 : i32
      %lt3A_113 = arith.cmpi slt, %rem3A_109, %lt3A_112 : i32
      %lt3A_114 = arith.constant 0 : i32
      %lt3A_115 = arith.cmpi slt, %select_n3A_108, %lt3A_114 : i32
      %ne3A_116 = arith.xori %lt3A_113, %lt3A_115 : i1
      %and3A_117 = arith.andi %ne3A_116, %ne3A_111 : i1
      %add3A_118 = arith.addi %rem3A_109, %select_n3A_108 : i32
      %select_n3A_119 = arith.select %and3A_117, %add3A_118, %rem3A_109 : i32
      %mul3A_120 = arith.constant 16 : i32
      %mul3A_121 = arith.muli %select_n3A_119, %mul3A_120 : i32
      %get3A_122 = arith.index_cast %select_n3A_103 : i32 to index
      %get3A_123 = arith.index_cast %mul3A_121 : i32 to index
      %get3A_124 = tpu.vector_load %arg9[%get3A_122, %get3A_123] {strides = array<i32>} : memref<79x128xi32, #tpu.memory_space<vmem>>, vector<1x16xi32>,
      %get3A_125 = vector.shape_cast %get3A_124 : vector<1x16xi32> to vector<16xi32>
      %add3A_126 = vector.broadcast %mul3A_0 : i32 to vector<16xi32>
      %add3A_127 = arith.addi %get3A_125, %add3A_126 : vector<16xi32>
      %mul3A_128 = arith.constant 16 : i32
      %mul3A_129 = arith.muli %select_n3A_119, %mul3A_128 : i32
      %swap3A_130 = arith.index_cast %select_n3A_103 : i32 to index
      %swap3A_131 = arith.index_cast %mul3A_129 : i32 to index
      %swap3A_132 = tpu.vector_load %arg9[%swap3A_130, %swap3A_131] {strides = array<i32>} : memref<79x128xi32, #tpu.memory_space<vmem>>, vector<1x16xi32>,
      %swap3A_133 = vector.shape_cast %swap3A_132 : vector<1x16xi32> to vector<16xi32>
      %swap3A_134 = vector.shape_cast %add3A_127 : vector<16xi32> to vector<1x16xi32>
      tpu.vector_store %arg9[%swap3A_130, %swap3A_131], %swap3A_134 {strides = array<i32>} : memref<79x128xi32, #tpu.memory_space<vmem>>, vector<1x16xi32>,
      %scan3A_135 = arith.constant 0 : i32
      %scan3A_136 = arith.constant 2 : i32
      %scan3A_137 = arith.addi %scan3A_33, %scan3A_136 : i32
      %jit3A_138 = arith.constant 8 : i32
      %div3A_139 = arith.divsi %scan3A_137, %jit3A_138 : i32
      %sign3A_140 = arith.constant 0 : i32
      %sign3A_141 = arith.cmpi sgt, %scan3A_137, %sign3A_140 : i32
      %sign3A_142 = arith.extui %sign3A_141 : i1 to i32
      %sign3A_143 = arith.constant 0 : i32
      %sign3A_144 = arith.cmpi slt, %scan3A_137, %sign3A_143 : i32
      %sign3A_145 = arith.extui %sign3A_144 : i1 to i32
      %sign3A_146 = arith.subi %sign3A_142, %sign3A_145 : i32
      %sign3A_147 = arith.constant 0 : i32
      %sign3A_148 = arith.cmpi sgt, %jit3A_138, %sign3A_147 : i32
      %sign3A_149 = arith.extui %sign3A_148 : i1 to i32
      %sign3A_150 = arith.constant 0 : i32
      %sign3A_151 = arith.cmpi slt, %jit3A_138, %sign3A_150 : i32
      %sign3A_152 = arith.extui %sign3A_151 : i1 to i32
      %sign3A_153 = arith.subi %sign3A_149, %sign3A_152 : i32
      %ne3A_154 = arith.cmpi ne, %sign3A_146, %sign3A_153 : i32
      %rem3A_155 = arith.remsi %scan3A_137, %jit3A_138 : i32
      %ne3A_156 = arith.constant 0 : i32
      %ne3A_157 = arith.cmpi ne, %rem3A_155, %ne3A_156 : i32
      %and3A_158 = arith.andi %ne3A_154, %ne3A_157 : i1
      %sub3A_159 = arith.constant 1 : i32
      %sub3A_160 = arith.subi %div3A_139, %sub3A_159 : i32
      %select_n3A_161 = arith.select %and3A_158, %sub3A_160, %div3A_139 : i32
      %jit3A_162 = arith.constant 8 : i32
      %eq3A_163 = arith.constant 0 : i32
      %eq3A_164 = arith.cmpi eq, %jit3A_162, %eq3A_163 : i32
      %jit3A_165 = arith.constant 1 : i32
      %select_n3A_166 = arith.select %eq3A_164, %jit3A_165, %jit3A_162 : i32
      %rem3A_167 = arith.remsi %scan3A_137, %select_n3A_166 : i32
      %ne3A_168 = arith.constant 0 : i32
      %ne3A_169 = arith.cmpi ne, %rem3A_167, %ne3A_168 : i32
      %lt3A_170 = arith.constant 0 : i32
      %lt3A_171 = arith.cmpi slt, %rem3A_167, %lt3A_170 : i32
      %lt3A_172 = arith.constant 0 : i32
      %lt3A_173 = arith.cmpi slt, %select_n3A_166, %lt3A_172 : i32
      %ne3A_174 = arith.xori %lt3A_171, %lt3A_173 : i1
      %and3A_175 = arith.andi %ne3A_174, %ne3A_169 : i1
      %add3A_176 = arith.addi %rem3A_167, %select_n3A_166 : i32
      %select_n3A_177 = arith.select %and3A_175, %add3A_176, %rem3A_167 : i32
      %mul3A_178 = arith.constant 16 : i32
      %mul3A_179 = arith.muli %select_n3A_177, %mul3A_178 : i32
      %get3A_180 = arith.index_cast %select_n3A_161 : i32 to index
      %get3A_181 = arith.index_cast %mul3A_179 : i32 to index
      %get3A_182 = tpu.vector_load %arg9[%get3A_180, %get3A_181] {strides = array<i32>} : memref<79x128xi32, #tpu.memory_space<vmem>>, vector<1x16xi32>,
      %get3A_183 = vector.shape_cast %get3A_182 : vector<1x16xi32> to vector<16xi32>
      %add3A_184 = vector.broadcast %mul3A_0 : i32 to vector<16xi32>
      %add3A_185 = arith.addi %get3A_183, %add3A_184 : vector<16xi32>
      %mul3A_186 = arith.constant 16 : i32
      %mul3A_187 = arith.muli %select_n3A_177, %mul3A_186 : i32
      %swap3A_188 = arith.index_cast %select_n3A_161 : i32 to index
      %swap3A_189 = arith.index_cast %mul3A_187 : i32 to index
      %swap3A_190 = tpu.vector_load %arg9[%swap3A_188, %swap3A_189] {strides = array<i32>} : memref<79x128xi32, #tpu.memory_space<vmem>>, vector<1x16xi32>,
      %swap3A_191 = vector.shape_cast %swap3A_190 : vector<1x16xi32> to vector<16xi32>
      %swap3A_192 = vector.shape_cast %add3A_185 : vector<16xi32> to vector<1x16xi32>
      tpu.vector_store %arg9[%swap3A_188, %swap3A_189], %swap3A_192 {strides = array<i32>} : memref<79x128xi32, #tpu.memory_space<vmem>>, vector<1x16xi32>,
      %scan3A_193 = arith.constant 0 : i32
      %scan3A_194 = arith.constant 3 : i32
      %scan3A_195 = arith.addi %scan3A_33, %scan3A_194 : i32
      %jit3A_196 = arith.constant 8 : i32
      %div3A_197 = arith.divsi %scan3A_195, %jit3A_196 : i32
      %sign3A_198 = arith.constant 0 : i32
      %sign3A_199 = arith.cmpi sgt, %scan3A_195, %sign3A_198 : i32
      %sign3A_200 = arith.extui %sign3A_199 : i1 to i32
      %sign3A_201 = arith.constant 0 : i32
      %sign3A_202 = arith.cmpi slt, %scan3A_195, %sign3A_201 : i32
      %sign3A_203 = arith.extui %sign3A_202 : i1 to i32
      %sign3A_204 = arith.subi %sign3A_200, %sign3A_203 : i32
      %sign3A_205 = arith.constant 0 : i32
      %sign3A_206 = arith.cmpi sgt, %jit3A_196, %sign3A_205 : i32
      %sign3A_207 = arith.extui %sign3A_206 : i1 to i32
      %sign3A_208 = arith.constant 0 : i32
      %sign3A_209 = arith.cmpi slt, %jit3A_196, %sign3A_208 : i32
      %sign3A_210 = arith.extui %sign3A_209 : i1 to i32
      %sign3A_211 = arith.subi %sign3A_207, %sign3A_210 : i32
      %ne3A_212 = arith.cmpi ne, %sign3A_204, %sign3A_211 : i32
      %rem3A_213 = arith.remsi %scan3A_195, %jit3A_196 : i32
      %ne3A_214 = arith.constant 0 : i32
      %ne3A_215 = arith.cmpi ne, %rem3A_213, %ne3A_214 : i32
      %and3A_216 = arith.andi %ne3A_212, %ne3A_215 : i1
      %sub3A_217 = arith.constant 1 : i32
      %sub3A_218 = arith.subi %div3A_197, %sub3A_217 : i32
      %select_n3A_219 = arith.select %and3A_216, %sub3A_218, %div3A_197 : i32
      %jit3A_220 = arith.constant 8 : i32
      %eq3A_221 = arith.constant 0 : i32
      %eq3A_222 = arith.cmpi eq, %jit3A_220, %eq3A_221 : i32
      %jit3A_223 = arith.constant 1 : i32
      %select_n3A_224 = arith.select %eq3A_222, %jit3A_223, %jit3A_220 : i32
      %rem3A_225 = arith.remsi %scan3A_195, %select_n3A_224 : i32
      %ne3A_226 = arith.constant 0 : i32
      %ne3A_227 = arith.cmpi ne, %rem3A_225, %ne3A_226 : i32
      %lt3A_228 = arith.constant 0 : i32
      %lt3A_229 = arith.cmpi slt, %rem3A_225, %lt3A_228 : i32
      %lt3A_230 = arith.constant 0 : i32
      %lt3A_231 = arith.cmpi slt, %select_n3A_224, %lt3A_230 : i32
      %ne3A_232 = arith.xori %lt3A_229, %lt3A_231 : i1
      %and3A_233 = arith.andi %ne3A_232, %ne3A_227 : i1
      %add3A_234 = arith.addi %rem3A_225, %select_n3A_224 : i32
      %select_n3A_235 = arith.select %and3A_233, %add3A_234, %rem3A_225 : i32
      %mul3A_236 = arith.constant 16 : i32
      %mul3A_237 = arith.muli %select_n3A_235, %mul3A_236 : i32
      %get3A_238 = arith.index_cast %select_n3A_219 : i32 to index
      %get3A_239 = arith.index_cast %mul3A_237 : i32 to index
      %get3A_240 = tpu.vector_load %arg9[%get3A_238, %get3A_239] {strides = array<i32>} : memref<79x128xi32, #tpu.memory_space<vmem>>, vector<1x16xi32>,
      %get3A_241 = vector.shape_cast %get3A_240 : vector<1x16xi32> to vector<16xi32>
      %add3A_242 = vector.broadcast %mul3A_0 : i32 to vector<16xi32>
      %add3A_243 = arith.addi %get3A_241, %add3A_242 : vector<16xi32>
      %mul3A_244 = arith.constant 16 : i32
      %mul3A_245 = arith.muli %select_n3A_235, %mul3A_244 : i32
      %swap3A_246 = arith.index_cast %select_n3A_219 : i32 to index
      %swap3A_247 = arith.index_cast %mul3A_245 : i32 to index
      %swap3A_248 = tpu.vector_load %arg9[%swap3A_246, %swap3A_247] {strides = array<i32>} : memref<79x128xi32, #tpu.memory_space<vmem>>, vector<1x16xi32>,
      %swap3A_249 = vector.shape_cast %swap3A_248 : vector<1x16xi32> to vector<16xi32>
      %swap3A_250 = vector.shape_cast %add3A_243 : vector<16xi32> to vector<1x16xi32>
      tpu.vector_store %arg9[%swap3A_246, %swap3A_247], %swap3A_250 {strides = array<i32>} : memref<79x128xi32, #tpu.memory_space<vmem>>, vector<1x16xi32>,
      %scan3A_251 = arith.constant 0 : i32
      %scan3A_252 = arith.constant 4 : i32
      %scan3A_253 = arith.addi %scan3A_33, %scan3A_252 : i32
      %jit3A_254 = arith.constant 8 : i32
      %div3A_255 = arith.divsi %scan3A_253, %jit3A_254 : i32
      %sign3A_256 = arith.constant 0 : i32
      %sign3A_257 = arith.cmpi sgt, %scan3A_253, %sign3A_256 : i32
      %sign3A_258 = arith.extui %sign3A_257 : i1 to i32
      %sign3A_259 = arith.constant 0 : i32
      %sign3A_260 = arith.cmpi slt, %scan3A_253, %sign3A_259 : i32
      %sign3A_261 = arith.extui %sign3A_260 : i1 to i32
      %sign3A_262 = arith.subi %sign3A_258, %sign3A_261 : i32
      %sign3A_263 = arith.constant 0 : i32
      %sign3A_264 = arith.cmpi sgt, %jit3A_254, %sign3A_263 : i32
      %sign3A_265 = arith.extui %sign3A_264 : i1 to i32
      %sign3A_266 = arith.constant 0 : i32
      %sign3A_267 = arith.cmpi slt, %jit3A_254, %sign3A_266 : i32
      %sign3A_268 = arith.extui %sign3A_267 : i1 to i32
      %sign3A_269 = arith.subi %sign3A_265, %sign3A_268 : i32
      %ne3A_270 = arith.cmpi ne, %sign3A_262, %sign3A_269 : i32
      %rem3A_271 = arith.remsi %scan3A_253, %jit3A_254 : i32
      %ne3A_272 = arith.constant 0 : i32
      %ne3A_273 = arith.cmpi ne, %rem3A_271, %ne3A_272 : i32
      %and3A_274 = arith.andi %ne3A_270, %ne3A_273 : i1
      %sub3A_275 = arith.constant 1 : i32
      %sub3A_276 = arith.subi %div3A_255, %sub3A_275 : i32
      %select_n3A_277 = arith.select %and3A_274, %sub3A_276, %div3A_255 : i32
      %jit3A_278 = arith.constant 8 : i32
      %eq3A_279 = arith.constant 0 : i32
      %eq3A_280 = arith.cmpi eq, %jit3A_278, %eq3A_279 : i32
      %jit3A_281 = arith.constant 1 : i32
      %select_n3A_282 = arith.select %eq3A_280, %jit3A_281, %jit3A_278 : i32
      %rem3A_283 = arith.remsi %scan3A_253, %select_n3A_282 : i32
      %ne3A_284 = arith.constant 0 : i32
      %ne3A_285 = arith.cmpi ne, %rem3A_283, %ne3A_284 : i32
      %lt3A_286 = arith.constant 0 : i32
      %lt3A_287 = arith.cmpi slt, %rem3A_283, %lt3A_286 : i32
      %lt3A_288 = arith.constant 0 : i32
      %lt3A_289 = arith.cmpi slt, %select_n3A_282, %lt3A_288 : i32
      %ne3A_290 = arith.xori %lt3A_287, %lt3A_289 : i1
      %and3A_291 = arith.andi %ne3A_290, %ne3A_285 : i1
      %add3A_292 = arith.addi %rem3A_283, %select_n3A_282 : i32
      %select_n3A_293 = arith.select %and3A_291, %add3A_292, %rem3A_283 : i32
      %mul3A_294 = arith.constant 16 : i32
      %mul3A_295 = arith.muli %select_n3A_293, %mul3A_294 : i32
      %get3A_296 = arith.index_cast %select_n3A_277 : i32 to index
      %get3A_297 = arith.index_cast %mul3A_295 : i32 to index
      %get3A_298 = tpu.vector_load %arg9[%get3A_296, %get3A_297] {strides = array<i32>} : memref<79x128xi32, #tpu.memory_space<vmem>>, vector<1x16xi32>,
      %get3A_299 = vector.shape_cast %get3A_298 : vector<1x16xi32> to vector<16xi32>
      %add3A_300 = vector.broadcast %mul3A_0 : i32 to vector<16xi32>
      %add3A_301 = arith.addi %get3A_299, %add3A_300 : vector<16xi32>
      %mul3A_302 = arith.constant 16 : i32
      %mul3A_303 = arith.muli %select_n3A_293, %mul3A_302 : i32
      %swap3A_304 = arith.index_cast %select_n3A_277 : i32 to index
      %swap3A_305 = arith.index_cast %mul3A_303 : i32 to index
      %swap3A_306 = tpu.vector_load %arg9[%swap3A_304, %swap3A_305] {strides = array<i32>} : memref<79x128xi32, #tpu.memory_space<vmem>>, vector<1x16xi32>,
      %swap3A_307 = vector.shape_cast %swap3A_306 : vector<1x16xi32> to vector<16xi32>
      %swap3A_308 = vector.shape_cast %add3A_301 : vector<16xi32> to vector<1x16xi32>
      tpu.vector_store %arg9[%swap3A_304, %swap3A_305], %swap3A_308 {strides = array<i32>} : memref<79x128xi32, #tpu.memory_space<vmem>>, vector<1x16xi32>,
      %scan3A_309 = arith.constant 0 : i32
      %scan3A_310 = arith.constant 5 : i32
      %scan3A_311 = arith.addi %scan3A_33, %scan3A_310 : i32
      %jit3A_312 = arith.constant 8 : i32
      %div3A_313 = arith.divsi %scan3A_311, %jit3A_312 : i32
      %sign3A_314 = arith.constant 0 : i32
      %sign3A_315 = arith.cmpi sgt, %scan3A_311, %sign3A_314 : i32
      %sign3A_316 = arith.extui %sign3A_315 : i1 to i32
      %sign3A_317 = arith.constant 0 : i32
      %sign3A_318 = arith.cmpi slt, %scan3A_311, %sign3A_317 : i32
      %sign3A_319 = arith.extui %sign3A_318 : i1 to i32
      %sign3A_320 = arith.subi %sign3A_316, %sign3A_319 : i32
      %sign3A_321 = arith.constant 0 : i32
      %sign3A_322 = arith.cmpi sgt, %jit3A_312, %sign3A_321 : i32
      %sign3A_323 = arith.extui %sign3A_322 : i1 to i32
      %sign3A_324 = arith.constant 0 : i32
      %sign3A_325 = arith.cmpi slt, %jit3A_312, %sign3A_324 : i32
      %sign3A_326 = arith.extui %sign3A_325 : i1 to i32
      %sign3A_327 = arith.subi %sign3A_323, %sign3A_326 : i32
      %ne3A_328 = arith.cmpi ne, %sign3A_320, %sign3A_327 : i32
      %rem3A_329 = arith.remsi %scan3A_311, %jit3A_312 : i32
      %ne3A_330 = arith.constant 0 : i32
      %ne3A_331 = arith.cmpi ne, %rem3A_329, %ne3A_330 : i32
      %and3A_332 = arith.andi %ne3A_328, %ne3A_331 : i1
      %sub3A_333 = arith.constant 1 : i32
      %sub3A_334 = arith.subi %div3A_313, %sub3A_333 : i32
      %select_n3A_335 = arith.select %and3A_332, %sub3A_334, %div3A_313 : i32
      %jit3A_336 = arith.constant 8 : i32
      %eq3A_337 = arith.constant 0 : i32
      %eq3A_338 = arith.cmpi eq, %jit3A_336, %eq3A_337 : i32
      %jit3A_339 = arith.constant 1 : i32
      %select_n3A_340 = arith.select %eq3A_338, %jit3A_339, %jit3A_336 : i32
      %rem3A_341 = arith.remsi %scan3A_311, %select_n3A_340 : i32
      %ne3A_342 = arith.constant 0 : i32
      %ne3A_343 = arith.cmpi ne, %rem3A_341, %ne3A_342 : i32
      %lt3A_344 = arith.constant 0 : i32
      %lt3A_345 = arith.cmpi slt, %rem3A_341, %lt3A_344 : i32
      %lt3A_346 = arith.constant 0 : i32
      %lt3A_347 = arith.cmpi slt, %select_n3A_340, %lt3A_346 : i32
      %ne3A_348 = arith.xori %lt3A_345, %lt3A_347 : i1
      %and3A_349 = arith.andi %ne3A_348, %ne3A_343 : i1
      %add3A_350 = arith.addi %rem3A_341, %select_n3A_340 : i32
      %select_n3A_351 = arith.select %and3A_349, %add3A_350, %rem3A_341 : i32
      %mul3A_352 = arith.constant 16 : i32
      %mul3A_353 = arith.muli %select_n3A_351, %mul3A_352 : i32
      %get3A_354 = arith.index_cast %select_n3A_335 : i32 to index
      %get3A_355 = arith.index_cast %mul3A_353 : i32 to index
      %get3A_356 = tpu.vector_load %arg9[%get3A_354, %get3A_355] {strides = array<i32>} : memref<79x128xi32, #tpu.memory_space<vmem>>, vector<1x16xi32>,
      %get3A_357 = vector.shape_cast %get3A_356 : vector<1x16xi32> to vector<16xi32>
      %add3A_358 = vector.broadcast %mul3A_0 : i32 to vector<16xi32>
      %add3A_359 = arith.addi %get3A_357, %add3A_358 : vector<16xi32>
      %mul3A_360 = arith.constant 16 : i32
      %mul3A_361 = arith.muli %select_n3A_351, %mul3A_360 : i32
      %swap3A_362 = arith.index_cast %select_n3A_335 : i32 to index
      %swap3A_363 = arith.index_cast %mul3A_361 : i32 to index
      %swap3A_364 = tpu.vector_load %arg9[%swap3A_362, %swap3A_363] {strides = array<i32>} : memref<79x128xi32, #tpu.memory_space<vmem>>, vector<1x16xi32>,
      %swap3A_365 = vector.shape_cast %swap3A_364 : vector<1x16xi32> to vector<16xi32>
      %swap3A_366 = vector.shape_cast %add3A_359 : vector<16xi32> to vector<1x16xi32>
      tpu.vector_store %arg9[%swap3A_362, %swap3A_363], %swap3A_366 {strides = array<i32>} : memref<79x128xi32, #tpu.memory_space<vmem>>, vector<1x16xi32>,
      %scan3A_367 = arith.constant 0 : i32
      %scan3A_368 = arith.constant 6 : i32
      %scan3A_369 = arith.addi %scan3A_33, %scan3A_368 : i32
      %jit3A_370 = arith.constant 8 : i32
      %div3A_371 = arith.divsi %scan3A_369, %jit3A_370 : i32
      %sign3A_372 = arith.constant 0 : i32
      %sign3A_373 = arith.cmpi sgt, %scan3A_369, %sign3A_372 : i32
      %sign3A_374 = arith.extui %sign3A_373 : i1 to i32
      %sign3A_375 = arith.constant 0 : i32
      %sign3A_376 = arith.cmpi slt, %scan3A_369, %sign3A_375 : i32
      %sign3A_377 = arith.extui %sign3A_376 : i1 to i32
      %sign3A_378 = arith.subi %sign3A_374, %sign3A_377 : i32
      %sign3A_379 = arith.constant 0 : i32
      %sign3A_380 = arith.cmpi sgt, %jit3A_370, %sign3A_379 : i32
      %sign3A_381 = arith.extui %sign3A_380 : i1 to i32
      %sign3A_382 = arith.constant 0 : i32
      %sign3A_383 = arith.cmpi slt, %jit3A_370, %sign3A_382 : i32
      %sign3A_384 = arith.extui %sign3A_383 : i1 to i32
      %sign3A_385 = arith.subi %sign3A_381, %sign3A_384 : i32
      %ne3A_386 = arith.cmpi ne, %sign3A_378, %sign3A_385 : i32
      %rem3A_387 = arith.remsi %scan3A_369, %jit3A_370 : i32
      %ne3A_388 = arith.constant 0 : i32
      %ne3A_389 = arith.cmpi ne, %rem3A_387, %ne3A_388 : i32
      %and3A_390 = arith.andi %ne3A_386, %ne3A_389 : i1
      %sub3A_391 = arith.constant 1 : i32
      %sub3A_392 = arith.subi %div3A_371, %sub3A_391 : i32
      %select_n3A_393 = arith.select %and3A_390, %sub3A_392, %div3A_371 : i32
      %jit3A_394 = arith.constant 8 : i32
      %eq3A_395 = arith.constant 0 : i32
      %eq3A_396 = arith.cmpi eq, %jit3A_394, %eq3A_395 : i32
      %jit3A_397 = arith.constant 1 : i32
      %select_n3A_398 = arith.select %eq3A_396, %jit3A_397, %jit3A_394 : i32
      %rem3A_399 = arith.remsi %scan3A_369, %select_n3A_398 : i32
      %ne3A_400 = arith.constant 0 : i32
      %ne3A_401 = arith.cmpi ne, %rem3A_399, %ne3A_400 : i32
      %lt3A_402 = arith.constant 0 : i32
      %lt3A_403 = arith.cmpi slt, %rem3A_399, %lt3A_402 : i32
      %lt3A_404 = arith.constant 0 : i32
      %lt3A_405 = arith.cmpi slt, %select_n3A_398, %lt3A_404 : i32
      %ne3A_406 = arith.xori %lt3A_403, %lt3A_405 : i1
      %and3A_407 = arith.andi %ne3A_406, %ne3A_401 : i1
      %add3A_408 = arith.addi %rem3A_399, %select_n3A_398 : i32
      %select_n3A_409 = arith.select %and3A_407, %add3A_408, %rem3A_399 : i32
      %mul3A_410 = arith.constant 16 : i32
      %mul3A_411 = arith.muli %select_n3A_409, %mul3A_410 : i32
      %get3A_412 = arith.index_cast %select_n3A_393 : i32 to index
      %get3A_413 = arith.index_cast %mul3A_411 : i32 to index
      %get3A_414 = tpu.vector_load %arg9[%get3A_412, %get3A_413] {strides = array<i32>} : memref<79x128xi32, #tpu.memory_space<vmem>>, vector<1x16xi32>,
      %get3A_415 = vector.shape_cast %get3A_414 : vector<1x16xi32> to vector<16xi32>
      %add3A_416 = vector.broadcast %mul3A_0 : i32 to vector<16xi32>
      %add3A_417 = arith.addi %get3A_415, %add3A_416 : vector<16xi32>
      %mul3A_418 = arith.constant 16 : i32
      %mul3A_419 = arith.muli %select_n3A_409, %mul3A_418 : i32
      %swap3A_420 = arith.index_cast %select_n3A_393 : i32 to index
      %swap3A_421 = arith.index_cast %mul3A_419 : i32 to index
      %swap3A_422 = tpu.vector_load %arg9[%swap3A_420, %swap3A_421] {strides = array<i32>} : memref<79x128xi32, #tpu.memory_space<vmem>>, vector<1x16xi32>,
      %swap3A_423 = vector.shape_cast %swap3A_422 : vector<1x16xi32> to vector<16xi32>
      %swap3A_424 = vector.shape_cast %add3A_417 : vector<16xi32> to vector<1x16xi32>
      tpu.vector_store %arg9[%swap3A_420, %swap3A_421], %swap3A_424 {strides = array<i32>} : memref<79x128xi32, #tpu.memory_space<vmem>>, vector<1x16xi32>,
      %scan3A_425 = arith.constant 0 : i32
      %scan3A_426 = arith.constant 7 : i32
      %scan3A_427 = arith.addi %scan3A_33, %scan3A_426 : i32
      %jit3A_428 = arith.constant 8 : i32
      %div3A_429 = arith.divsi %scan3A_427, %jit3A_428 : i32
      %sign3A_430 = arith.constant 0 : i32
      %sign3A_431 = arith.cmpi sgt, %scan3A_427, %sign3A_430 : i32
      %sign3A_432 = arith.extui %sign3A_431 : i1 to i32
      %sign3A_433 = arith.constant 0 : i32
      %sign3A_434 = arith.cmpi slt, %scan3A_427, %sign3A_433 : i32
      %sign3A_435 = arith.extui %sign3A_434 : i1 to i32
      %sign3A_436 = arith.subi %sign3A_432, %sign3A_435 : i32
      %sign3A_437 = arith.constant 0 : i32
      %sign3A_438 = arith.cmpi sgt, %jit3A_428, %sign3A_437 : i32
      %sign3A_439 = arith.extui %sign3A_438 : i1 to i32
      %sign3A_440 = arith.constant 0 : i32
      %sign3A_441 = arith.cmpi slt, %jit3A_428, %sign3A_440 : i32
      %sign3A_442 = arith.extui %sign3A_441 : i1 to i32
      %sign3A_443 = arith.subi %sign3A_439, %sign3A_442 : i32
      %ne3A_444 = arith.cmpi ne, %sign3A_436, %sign3A_443 : i32
      %rem3A_445 = arith.remsi %scan3A_427, %jit3A_428 : i32
      %ne3A_446 = arith.constant 0 : i32
      %ne3A_447 = arith.cmpi ne, %rem3A_445, %ne3A_446 : i32
      %and3A_448 = arith.andi %ne3A_444, %ne3A_447 : i1
      %sub3A_449 = arith.constant 1 : i32
      %sub3A_450 = arith.subi %div3A_429, %sub3A_449 : i32
      %select_n3A_451 = arith.select %and3A_448, %sub3A_450, %div3A_429 : i32
      %jit3A_452 = arith.constant 8 : i32
      %eq3A_453 = arith.constant 0 : i32
      %eq3A_454 = arith.cmpi eq, %jit3A_452, %eq3A_453 : i32
      %jit3A_455 = arith.constant 1 : i32
      %select_n3A_456 = arith.select %eq3A_454, %jit3A_455, %jit3A_452 : i32
      %rem3A_457 = arith.remsi %scan3A_427, %select_n3A_456 : i32
      %ne3A_458 = arith.constant 0 : i32
      %ne3A_459 = arith.cmpi ne, %rem3A_457, %ne3A_458 : i32
      %lt3A_460 = arith.constant 0 : i32
      %lt3A_461 = arith.cmpi slt, %rem3A_457, %lt3A_460 : i32
      %lt3A_462 = arith.constant 0 : i32
      %lt3A_463 = arith.cmpi slt, %select_n3A_456, %lt3A_462 : i32
      %ne3A_464 = arith.xori %lt3A_461, %lt3A_463 : i1
      %and3A_465 = arith.andi %ne3A_464, %ne3A_459 : i1
      %add3A_466 = arith.addi %rem3A_457, %select_n3A_456 : i32
      %select_n3A_467 = arith.select %and3A_465, %add3A_466, %rem3A_457 : i32
      %mul3A_468 = arith.constant 16 : i32
      %mul3A_469 = arith.muli %select_n3A_467, %mul3A_468 : i32
      %get3A_470 = arith.index_cast %select_n3A_451 : i32 to index
      %get3A_471 = arith.index_cast %mul3A_469 : i32 to index
      %get3A_472 = tpu.vector_load %arg9[%get3A_470, %get3A_471] {strides = array<i32>} : memref<79x128xi32, #tpu.memory_space<vmem>>, vector<1x16xi32>,
      %get3A_473 = vector.shape_cast %get3A_472 : vector<1x16xi32> to vector<16xi32>
      %add3A_474 = vector.broadcast %mul3A_0 : i32 to vector<16xi32>
      %add3A_475 = arith.addi %get3A_473, %add3A_474 : vector<16xi32>
      %mul3A_476 = arith.constant 16 : i32
      %mul3A_477 = arith.muli %select_n3A_467, %mul3A_476 : i32
      %swap3A_478 = arith.index_cast %select_n3A_451 : i32 to index
      %swap3A_479 = arith.index_cast %mul3A_477 : i32 to index
      %swap3A_480 = tpu.vector_load %arg9[%swap3A_478, %swap3A_479] {strides = array<i32>} : memref<79x128xi32, #tpu.memory_space<vmem>>, vector<1x16xi32>,
      %swap3A_481 = vector.shape_cast %swap3A_480 : vector<1x16xi32> to vector<16xi32>
      %swap3A_482 = vector.shape_cast %add3A_475 : vector<16xi32> to vector<1x16xi32>
      tpu.vector_store %arg9[%swap3A_478, %swap3A_479], %swap3A_482 {strides = array<i32>} : memref<79x128xi32, #tpu.memory_space<vmem>>, vector<1x16xi32>,
      %scan3A_483 = arith.constant 0 : i32
      scf.yield %scan3A_483 : i32
    }
    %scan3A_6 = arith.constant 632 : i32
    "tpu.region"() ({
      %run_scoped3A = tpu.sem_alloc : memref<!tpu.dma_semaphore, #tpu.memory_space<semaphore_mem>>
      tpu.enqueue_dma source(%arg5 : memref<128x128xf32, #tpu.memory_space<hbm>>) target(%arg11 : memref<128x128xf32, #tpu.memory_space<vmem>>) target_semaphore(%run_scoped3A : memref<!tpu.dma_semaphore, #tpu.memory_space<semaphore_mem>>)
      tpu.wait_dma2 semaphore(%run_scoped3A : memref<!tpu.dma_semaphore, #tpu.memory_space<semaphore_mem>>) src(%arg5 : memref<128x128xf32, #tpu.memory_space<hbm>>) dst(%arg11 : memref<128x128xf32, #tpu.memory_space<vmem>>)
      tpu.yield
    }) : () -> ()
    %scan3A_7 = arith.constant 0 : i32
    %scan3A_8 = arith.constant 0 : i32
    %scan3A_9 = arith.constant 5 : i32
    %scan3A_10 = arith.addi %scan3A_8, %scan3A_9 : i32
    %scan3A_11 = arith.constant 1 : i32
    %scan3A_12 = scf.for %scan3A_33 = %scan3A_8 to %scan3A_10 step %scan3A_11 iter_args(%scan3A_34 = %scan3A_7) -> (i32)  : i32 {
      %mul3A_35 = arith.constant 640 : i32
      %mul3A_36 = arith.muli %arg1, %mul3A_35 : i32
      %mul3A_37 = arith.constant 128 : i32
      %mul3A_38 = arith.muli %scan3A_33, %mul3A_37 : i32
      %add3A = arith.addi %mul3A_36, %mul3A_38 : i32
      "tpu.region"() ({
        %run_scoped3A_45 = tpu.sem_alloc : memref<!tpu.dma_semaphore, #tpu.memory_space<semaphore_mem>>
        %dma_start3A = arith.constant 0 : i32
        %dma_start3A_46 = tpu.memref_slice %arg14[%add3A, %dma_start3A] : memref<10240x128xf32, #tpu.memory_space<vmem_shared>> -> memref<128x128xf32, #tpu.memory_space<vmem_shared>>
        %dma_start3A_47 = arith.constant 0 : i32
        %dma_start3A_48 = tpu.memref_slice %arg14[%add3A, %dma_start3A_47] : memref<10240x128xf32, #tpu.memory_space<vmem_shared>> -> memref<128x128xf32, #tpu.memory_space<vmem_shared>>
        tpu.enqueue_dma source(%arg11 : memref<128x128xf32, #tpu.memory_space<vmem>>) target(%dma_start3A_48 : memref<128x128xf32, #tpu.memory_space<vmem_shared>>) target_semaphore(%run_scoped3A_45 : memref<!tpu.dma_semaphore, #tpu.memory_space<semaphore_mem>>)
        %dma_wait3A = arith.constant 0 : i32
        %dma_wait3A_49 = tpu.memref_slice %arg14[%add3A, %dma_wait3A] : memref<10240x128xf32, #tpu.memory_space<vmem_shared>> -> memref<128x128xf32, #tpu.memory_space<vmem_shared>>
        %dma_wait3A_50 = arith.constant 0 : i32
        %dma_wait3A_51 = tpu.memref_slice %arg14[%add3A, %dma_wait3A_50] : memref<10240x128xf32, #tpu.memory_space<vmem_shared>> -> memref<128x128xf32, #tpu.memory_space<vmem_shared>>
        tpu.wait_dma2 semaphore(%run_scoped3A_45 : memref<!tpu.dma_semaphore, #tpu.memory_space<semaphore_mem>>) src(%arg11 : memref<128x128xf32, #tpu.memory_space<vmem>>) dst(%dma_wait3A_51 : memref<128x128xf32, #tpu.memory_space<vmem_shared>>)
        tpu.yield
      }) : () -> ()
      %mul3A_39 = arith.constant 640 : i32
      %mul3A_40 = arith.muli %arg1, %mul3A_39 : i32
      %mul3A_41 = arith.constant 128 : i32
      %mul3A_42 = arith.muli %scan3A_33, %mul3A_41 : i32
      %add3A_43 = arith.addi %mul3A_40, %mul3A_42 : i32
      %run_scoped3A = arith.constant 0 : i32
      "tpu.region"() ({
        %run_scoped3A_45 = tpu.sem_alloc : memref<!tpu.dma_semaphore, #tpu.memory_space<semaphore_mem>>
        %dma_start3A = arith.constant 0 : i32
        %dma_start3A_46 = tpu.memref_slice %arg11[%run_scoped3A, %dma_start3A] : memref<128x128xf32, #tpu.memory_space<vmem>> -> memref<1x128xf32, #tpu.memory_space<vmem>>
        %dma_start3A_47 = tpu.memref_squeeze %dma_start3A_46 : memref<1x128xf32, #tpu.memory_space<vmem>> -> memref<128xf32, #tpu.memory_space<vmem>>
        %dma_start3A_48 = tpu.memref_slice %arg15[%add3A_43] : memref<10240xf32, #tpu.memory_space<vmem_shared>> -> memref<128xf32, #tpu.memory_space<vmem_shared>>
        %dma_start3A_49 = tpu.memref_slice %arg15[%add3A_43] : memref<10240xf32, #tpu.memory_space<vmem_shared>> -> memref<128xf32, #tpu.memory_space<vmem_shared>>
        %dma_start3A_50 = arith.constant 0 : i32
        %dma_start3A_51 = tpu.memref_slice %arg11[%run_scoped3A, %dma_start3A_50] : memref<128x128xf32, #tpu.memory_space<vmem>> -> memref<1x128xf32, #tpu.memory_space<vmem>>
        %dma_start3A_52 = tpu.memref_squeeze %dma_start3A_51 : memref<1x128xf32, #tpu.memory_space<vmem>> -> memref<128xf32, #tpu.memory_space<vmem>>
        tpu.enqueue_dma source(%dma_start3A_52 : memref<128xf32, #tpu.memory_space<vmem>>) target(%dma_start3A_49 : memref<128xf32, #tpu.memory_space<vmem_shared>>) target_semaphore(%run_scoped3A_45 : memref<!tpu.dma_semaphore, #tpu.memory_space<semaphore_mem>>)
        %dma_wait3A = arith.constant 0 : i32
        %dma_wait3A_53 = tpu.memref_slice %arg11[%run_scoped3A, %dma_wait3A] : memref<128x128xf32, #tpu.memory_space<vmem>> -> memref<1x128xf32, #tpu.memory_space<vmem>>
        %dma_wait3A_54 = tpu.memref_squeeze %dma_wait3A_53 : memref<1x128xf32, #tpu.memory_space<vmem>> -> memref<128xf32, #tpu.memory_space<vmem>>
        %dma_wait3A_55 = tpu.memref_slice %arg15[%add3A_43] : memref<10240xf32, #tpu.memory_space<vmem_shared>> -> memref<128xf32, #tpu.memory_space<vmem_shared>>
        %dma_wait3A_56 = tpu.memref_slice %arg15[%add3A_43] : memref<10240xf32, #tpu.memory_space<vmem_shared>> -> memref<128xf32, #tpu.memory_space<vmem_shared>>
        %dma_wait3A_57 = arith.constant 0 : i32
        %dma_wait3A_58 = tpu.memref_slice %arg11[%run_scoped3A, %dma_wait3A_57] : memref<128x128xf32, #tpu.memory_space<vmem>> -> memref<1x128xf32, #tpu.memory_space<vmem>>
        %dma_wait3A_59 = tpu.memref_squeeze %dma_wait3A_58 : memref<1x128xf32, #tpu.memory_space<vmem>> -> memref<128xf32, #tpu.memory_space<vmem>>
        tpu.wait_dma2 semaphore(%run_scoped3A_45 : memref<!tpu.dma_semaphore, #tpu.memory_space<semaphore_mem>>) src(%dma_wait3A_59 : memref<128xf32, #tpu.memory_space<vmem>>) dst(%dma_wait3A_56 : memref<128xf32, #tpu.memory_space<vmem_shared>>)
        tpu.yield
      }) : () -> ()
      %scan3A_44 = arith.constant 0 : i32
      scf.yield %scan3A_44 : i32
    }
    %scan3A_13 = arith.constant 5 : i32
    %barrier3A = arith.constant 0 : index
    tpu.barrier barrier_id(%barrier3A)
    %scan3A_14 = arith.constant 0 : i32
    %scan3A_15 = arith.constant 0 : i32
    %scan3A_16 = arith.constant 79 : i32
    %scan3A_17 = arith.addi %scan3A_15, %scan3A_16 : i32
    %scan3A_18 = arith.constant 1 : i32
    %scan3A_19 = scf.for %scan3A_33 = %scan3A_15 to %scan3A_17 step %scan3A_18 iter_args(%scan3A_34 = %scan3A_14) -> (i32)  : i32 {
      %dma_start3A = arith.constant 0 : i32
      %dma_start3A_35 = tpu.memref_slice %arg9[%scan3A_33, %dma_start3A] : memref<79x128xi32, #tpu.memory_space<vmem>> -> memref<1x128xi32, #tpu.memory_space<vmem>>
      %dma_start3A_36 = tpu.memref_squeeze %dma_start3A_35 : memref<1x128xi32, #tpu.memory_space<vmem>> -> memref<128xi32, #tpu.memory_space<vmem>>
      %dma_start3A_37 = arith.constant 0 : i32
      %dma_start3A_38 = arith.constant 0 : i32
      %dma_start3A_39 = tpu.memref_slice %arg2[%dma_start3A_37, %dma_start3A_38] : memref<20480x128xf32, #tpu.memory_space<hbm>> -> memref<20480x128xf32, #tpu.memory_space<hbm>>
      tpu.enqueue_indirect_dma source(%dma_start3A_39 : memref<20480x128xf32, #tpu.memory_space<hbm>>) target(%arg11 : memref<128x128xf32, #tpu.memory_space<vmem>>) offsets(%dma_start3A_36 : memref<128xi32, #tpu.memory_space<vmem>>) semaphore(%arg16 : memref<!tpu.dma_semaphore, #tpu.memory_space<semaphore_mem>>)
      %dma_wait3A = arith.constant 0 : i32
      %dma_wait3A_40 = tpu.memref_slice %arg9[%scan3A_33, %dma_wait3A] : memref<79x128xi32, #tpu.memory_space<vmem>> -> memref<1x128xi32, #tpu.memory_space<vmem>>
      %dma_wait3A_41 = tpu.memref_squeeze %dma_wait3A_40 : memref<1x128xi32, #tpu.memory_space<vmem>> -> memref<128xi32, #tpu.memory_space<vmem>>
      %dma_wait3A_42 = arith.constant 0 : i32
      %dma_wait3A_43 = arith.constant 0 : i32
      %dma_wait3A_44 = tpu.memref_slice %arg2[%dma_wait3A_42, %dma_wait3A_43] : memref<20480x128xf32, #tpu.memory_space<hbm>> -> memref<20480x128xf32, #tpu.memory_space<hbm>>
      tpu.wait_indirect_dma semaphore(%arg16 : memref<!tpu.dma_semaphore, #tpu.memory_space<semaphore_mem>>) src(%dma_wait3A_44 : memref<20480x128xf32, #tpu.memory_space<hbm>>) dst(%arg11 : memref<128x128xf32, #tpu.memory_space<vmem>>)
      "tpu.region"() ({
        %run_scoped3A = tpu.sem_alloc : memref<!tpu.dma_semaphore, #tpu.memory_space<semaphore_mem>>
        %dma_start3A_46 = arith.constant 0 : i32
        %dma_start3A_47 = tpu.memref_slice %arg10[%scan3A_33, %dma_start3A_46] : memref<79x128xi32, #tpu.memory_space<vmem>> -> memref<1x128xi32, #tpu.memory_space<vmem>>
        %dma_start3A_48 = tpu.memref_squeeze %dma_start3A_47 : memref<1x128xi32, #tpu.memory_space<vmem>> -> memref<128xi32, #tpu.memory_space<vmem>>
        %dma_start3A_49 = arith.constant 0 : i32
        %dma_start3A_50 = arith.constant 0 : i32
        %dma_start3A_51 = tpu.memref_slice %arg14[%dma_start3A_49, %dma_start3A_50] : memref<10240x128xf32, #tpu.memory_space<vmem_shared>> -> memref<10240x128xf32, #tpu.memory_space<vmem_shared>>
        tpu.enqueue_indirect_dma source(%arg11 : memref<128x128xf32, #tpu.memory_space<vmem>>) target(%dma_start3A_51 : memref<10240x128xf32, #tpu.memory_space<vmem_shared>>) offsets(%dma_start3A_48 : memref<128xi32, #tpu.memory_space<vmem>>) semaphore(%run_scoped3A : memref<!tpu.dma_semaphore, #tpu.memory_space<semaphore_mem>>) {add = true}
        %dma_wait3A_52 = arith.constant 0 : i32
        %dma_wait3A_53 = tpu.memref_slice %arg10[%scan3A_33, %dma_wait3A_52] : memref<79x128xi32, #tpu.memory_space<vmem>> -> memref<1x128xi32, #tpu.memory_space<vmem>>
        %dma_wait3A_54 = tpu.memref_squeeze %dma_wait3A_53 : memref<1x128xi32, #tpu.memory_space<vmem>> -> memref<128xi32, #tpu.memory_space<vmem>>
        %dma_wait3A_55 = arith.constant 0 : i32
        %dma_wait3A_56 = arith.constant 0 : i32
        %dma_wait3A_57 = tpu.memref_slice %arg14[%dma_wait3A_55, %dma_wait3A_56] : memref<10240x128xf32, #tpu.memory_space<vmem_shared>> -> memref<10240x128xf32, #tpu.memory_space<vmem_shared>>
        tpu.wait_indirect_dma semaphore(%run_scoped3A : memref<!tpu.dma_semaphore, #tpu.memory_space<semaphore_mem>>) src(%arg11 : memref<128x128xf32, #tpu.memory_space<vmem>>) dst(%dma_wait3A_57 : memref<10240x128xf32, #tpu.memory_space<vmem_shared>>)
        tpu.yield
      }) : () -> ()
      "tpu.region"() ({
        %run_scoped3A = tpu.sem_alloc : memref<!tpu.dma_semaphore, #tpu.memory_space<semaphore_mem>>
        %dma_start3A_46 = arith.constant 0 : i32
        %dma_start3A_47 = tpu.memref_slice %arg10[%scan3A_33, %dma_start3A_46] : memref<79x128xi32, #tpu.memory_space<vmem>> -> memref<1x128xi32, #tpu.memory_space<vmem>>
        %dma_start3A_48 = tpu.memref_squeeze %dma_start3A_47 : memref<1x128xi32, #tpu.memory_space<vmem>> -> memref<128xi32, #tpu.memory_space<vmem>>
        %dma_start3A_49 = arith.constant 0 : i32
        %dma_start3A_50 = tpu.memref_slice %arg15[%dma_start3A_49] : memref<10240xf32, #tpu.memory_space<vmem_shared>> -> memref<10240xf32, #tpu.memory_space<vmem_shared>>
        tpu.enqueue_indirect_dma source(%arg12 : memref<128xf32, #tpu.memory_space<vmem>>) target(%dma_start3A_50 : memref<10240xf32, #tpu.memory_space<vmem_shared>>) offsets(%dma_start3A_48 : memref<128xi32, #tpu.memory_space<vmem>>) semaphore(%run_scoped3A : memref<!tpu.dma_semaphore, #tpu.memory_space<semaphore_mem>>) {add = true}
        %dma_wait3A_51 = arith.constant 0 : i32
        %dma_wait3A_52 = tpu.memref_slice %arg10[%scan3A_33, %dma_wait3A_51] : memref<79x128xi32, #tpu.memory_space<vmem>> -> memref<1x128xi32, #tpu.memory_space<vmem>>
        %dma_wait3A_53 = tpu.memref_squeeze %dma_wait3A_52 : memref<1x128xi32, #tpu.memory_space<vmem>> -> memref<128xi32, #tpu.memory_space<vmem>>
        %dma_wait3A_54 = arith.constant 0 : i32
        %dma_wait3A_55 = tpu.memref_slice %arg15[%dma_wait3A_54] : memref<10240xf32, #tpu.memory_space<vmem_shared>> -> memref<10240xf32, #tpu.memory_space<vmem_shared>>
        tpu.wait_indirect_dma semaphore(%run_scoped3A : memref<!tpu.dma_semaphore, #tpu.memory_space<semaphore_mem>>) src(%arg12 : memref<128xf32, #tpu.memory_space<vmem>>) dst(%dma_wait3A_55 : memref<10240xf32, #tpu.memory_space<vmem_shared>>)
        tpu.yield
      }) : () -> ()
      %scan3A_45 = arith.constant 0 : i32
      scf.yield %scan3A_45 : i32
    }
    %scan3A_20 = arith.constant 79 : i32
    %barrier3A_21 = arith.constant 0 : index
    tpu.barrier barrier_id(%barrier3A_21)
    %scan3A_22 = arith.constant 0 : i32
    %scan3A_23 = arith.constant 0 : i32
    %scan3A_24 = arith.constant 5 : i32
    %scan3A_25 = arith.addi %scan3A_23, %scan3A_24 : i32
    %scan3A_26 = arith.constant 1 : i32
    %scan3A_27 = scf.for %scan3A_33 = %scan3A_23 to %scan3A_25 step %scan3A_26 iter_args(%scan3A_34 = %scan3A_22) -> (i32)  : i32 {
      %mul3A_35 = arith.constant 640 : i32
      %mul3A_36 = arith.muli %arg1, %mul3A_35 : i32
      %mul3A_37 = arith.constant 128 : i32
      %mul3A_38 = arith.muli %scan3A_33, %mul3A_37 : i32
      %add3A = arith.addi %mul3A_36, %mul3A_38 : i32
      "tpu.region"() ({
        %run_scoped3A = tpu.sem_alloc : memref<!tpu.dma_semaphore, #tpu.memory_space<semaphore_mem>>
        %dma_start3A = arith.constant 0 : i32
        %dma_start3A_43 = tpu.memref_slice %arg14[%add3A, %dma_start3A] : memref<10240x128xf32, #tpu.memory_space<vmem_shared>> -> memref<128x128xf32, #tpu.memory_space<vmem_shared>>
        %dma_start3A_44 = arith.constant 0 : i32
        %dma_start3A_45 = tpu.memref_slice %arg14[%add3A, %dma_start3A_44] : memref<10240x128xf32, #tpu.memory_space<vmem_shared>> -> memref<128x128xf32, #tpu.memory_space<vmem_shared>>
        tpu.enqueue_dma source(%dma_start3A_45 : memref<128x128xf32, #tpu.memory_space<vmem_shared>>) target(%arg11 : memref<128x128xf32, #tpu.memory_space<vmem>>) target_semaphore(%run_scoped3A : memref<!tpu.dma_semaphore, #tpu.memory_space<semaphore_mem>>)
        %dma_wait3A = arith.constant 0 : i32
        %dma_wait3A_46 = tpu.memref_slice %arg14[%add3A, %dma_wait3A] : memref<10240x128xf32, #tpu.memory_space<vmem_shared>> -> memref<128x128xf32, #tpu.memory_space<vmem_shared>>
        %dma_wait3A_47 = arith.constant 0 : i32
        %dma_wait3A_48 = tpu.memref_slice %arg14[%add3A, %dma_wait3A_47] : memref<10240x128xf32, #tpu.memory_space<vmem_shared>> -> memref<128x128xf32, #tpu.memory_space<vmem_shared>>
        tpu.wait_dma2 semaphore(%run_scoped3A : memref<!tpu.dma_semaphore, #tpu.memory_space<semaphore_mem>>) src(%dma_wait3A_48 : memref<128x128xf32, #tpu.memory_space<vmem_shared>>) dst(%arg11 : memref<128x128xf32, #tpu.memory_space<vmem>>)
        tpu.yield
      }) : () -> ()
      %mul3A_39 = arith.constant 10240 : i32
      %mul3A_40 = arith.muli %arg0, %mul3A_39 : i32
      %add3A_41 = arith.addi %mul3A_40, %add3A : i32
      "tpu.region"() ({
        %run_scoped3A = tpu.sem_alloc : memref<!tpu.dma_semaphore, #tpu.memory_space<semaphore_mem>>
        %dma_start3A = arith.constant 0 : i32
        %dma_start3A_43 = tpu.memref_slice %arg7[%add3A_41, %dma_start3A] : memref<20480x128xf32, #tpu.memory_space<hbm>> -> memref<128x128xf32, #tpu.memory_space<hbm>>
        %dma_start3A_44 = arith.constant 0 : i32
        %dma_start3A_45 = tpu.memref_slice %arg7[%add3A_41, %dma_start3A_44] : memref<20480x128xf32, #tpu.memory_space<hbm>> -> memref<128x128xf32, #tpu.memory_space<hbm>>
        tpu.enqueue_dma source(%arg11 : memref<128x128xf32, #tpu.memory_space<vmem>>) target(%dma_start3A_45 : memref<128x128xf32, #tpu.memory_space<hbm>>) target_semaphore(%run_scoped3A : memref<!tpu.dma_semaphore, #tpu.memory_space<semaphore_mem>>)
        %dma_wait3A = arith.constant 0 : i32
        %dma_wait3A_46 = tpu.memref_slice %arg7[%add3A_41, %dma_wait3A] : memref<20480x128xf32, #tpu.memory_space<hbm>> -> memref<128x128xf32, #tpu.memory_space<hbm>>
        %dma_wait3A_47 = arith.constant 0 : i32
        %dma_wait3A_48 = tpu.memref_slice %arg7[%add3A_41, %dma_wait3A_47] : memref<20480x128xf32, #tpu.memory_space<hbm>> -> memref<128x128xf32, #tpu.memory_space<hbm>>
        tpu.wait_dma2 semaphore(%run_scoped3A : memref<!tpu.dma_semaphore, #tpu.memory_space<semaphore_mem>>) src(%arg11 : memref<128x128xf32, #tpu.memory_space<vmem>>) dst(%dma_wait3A_48 : memref<128x128xf32, #tpu.memory_space<hbm>>)
        tpu.yield
      }) : () -> ()
      %scan3A_42 = arith.constant 0 : i32
      scf.yield %scan3A_42 : i32
    }
    %scan3A_28 = arith.constant 5 : i32
    %mul3A_29 = arith.constant 640 : i32
    %mul3A_30 = arith.muli %arg1, %mul3A_29 : i32
    "tpu.region"() ({
      %run_scoped3A = tpu.sem_alloc : memref<!tpu.dma_semaphore, #tpu.memory_space<semaphore_mem>>
      %dma_start3A = tpu.memref_slice %arg15[%mul3A_30] : memref<10240xf32, #tpu.memory_space<vmem_shared>> -> memref<640xf32, #tpu.memory_space<vmem_shared>>
      %dma_start3A_33 = tpu.memref_slice %arg15[%mul3A_30] : memref<10240xf32, #tpu.memory_space<vmem_shared>> -> memref<640xf32, #tpu.memory_space<vmem_shared>>
      tpu.enqueue_dma source(%dma_start3A_33 : memref<640xf32, #tpu.memory_space<vmem_shared>>) target(%arg13 : memref<640xf32, #tpu.memory_space<vmem>>) target_semaphore(%run_scoped3A : memref<!tpu.dma_semaphore, #tpu.memory_space<semaphore_mem>>)
      %dma_wait3A = tpu.memref_slice %arg15[%mul3A_30] : memref<10240xf32, #tpu.memory_space<vmem_shared>> -> memref<640xf32, #tpu.memory_space<vmem_shared>>
      %dma_wait3A_34 = tpu.memref_slice %arg15[%mul3A_30] : memref<10240xf32, #tpu.memory_space<vmem_shared>> -> memref<640xf32, #tpu.memory_space<vmem_shared>>
      tpu.wait_dma2 semaphore(%run_scoped3A : memref<!tpu.dma_semaphore, #tpu.memory_space<semaphore_mem>>) src(%dma_wait3A_34 : memref<640xf32, #tpu.memory_space<vmem_shared>>) dst(%arg13 : memref<640xf32, #tpu.memory_space<vmem>>)
      tpu.yield
    }) : () -> ()
    %mul3A_31 = arith.constant 640 : i32
    %mul3A_32 = arith.muli %arg1, %mul3A_31 : i32
    "tpu.region"() ({
      %run_scoped3A = tpu.sem_alloc : memref<!tpu.dma_semaphore, #tpu.memory_space<semaphore_mem>>
      %dma_start3A = arith.constant 0 : i32
      %dma_start3A_33 = tpu.memref_slice %arg8[%arg0, %dma_start3A] : memref<2x10240xf32, #tpu.memory_space<hbm>> -> memref<1x10240xf32, #tpu.memory_space<hbm>>
      %dma_start3A_34 = tpu.memref_squeeze %dma_start3A_33 : memref<1x10240xf32, #tpu.memory_space<hbm>> -> memref<10240xf32, #tpu.memory_space<hbm>>
      %dma_start3A_35 = tpu.memref_slice %dma_start3A_34[%mul3A_32] : memref<10240xf32, #tpu.memory_space<hbm>> -> memref<640xf32, #tpu.memory_space<hbm>>
      %dma_start3A_36 = arith.constant 0 : i32
      %dma_start3A_37 = tpu.memref_slice %arg8[%arg0, %dma_start3A_36] : memref<2x10240xf32, #tpu.memory_space<hbm>> -> memref<1x10240xf32, #tpu.memory_space<hbm>>
      %dma_start3A_38 = tpu.memref_squeeze %dma_start3A_37 : memref<1x10240xf32, #tpu.memory_space<hbm>> -> memref<10240xf32, #tpu.memory_space<hbm>>
      %dma_start3A_39 = tpu.memref_slice %dma_start3A_38[%mul3A_32] : memref<10240xf32, #tpu.memory_space<hbm>> -> memref<640xf32, #tpu.memory_space<hbm>>
      tpu.enqueue_dma source(%arg13 : memref<640xf32, #tpu.memory_space<vmem>>) target(%dma_start3A_39 : memref<640xf32, #tpu.memory_space<hbm>>) target_semaphore(%run_scoped3A : memref<!tpu.dma_semaphore, #tpu.memory_space<semaphore_mem>>)
      %dma_wait3A = arith.constant 0 : i32
      %dma_wait3A_40 = tpu.memref_slice %arg8[%arg0, %dma_wait3A] : memref<2x10240xf32, #tpu.memory_space<hbm>> -> memref<1x10240xf32, #tpu.memory_space<hbm>>
      %dma_wait3A_41 = tpu.memref_squeeze %dma_wait3A_40 : memref<1x10240xf32, #tpu.memory_space<hbm>> -> memref<10240xf32, #tpu.memory_space<hbm>>
      %dma_wait3A_42 = tpu.memref_slice %dma_wait3A_41[%mul3A_32] : memref<10240xf32, #tpu.memory_space<hbm>> -> memref<640xf32, #tpu.memory_space<hbm>>
      %dma_wait3A_43 = arith.constant 0 : i32
      %dma_wait3A_44 = tpu.memref_slice %arg8[%arg0, %dma_wait3A_43] : memref<2x10240xf32, #tpu.memory_space<hbm>> -> memref<1x10240xf32, #tpu.memory_space<hbm>>
      %dma_wait3A_45 = tpu.memref_squeeze %dma_wait3A_44 : memref<1x10240xf32, #tpu.memory_space<hbm>> -> memref<10240xf32, #tpu.memory_space<hbm>>
      %dma_wait3A_46 = tpu.memref_slice %dma_wait3A_45[%mul3A_32] : memref<10240xf32, #tpu.memory_space<hbm>> -> memref<640xf32, #tpu.memory_space<hbm>>
      tpu.wait_dma2 semaphore(%run_scoped3A : memref<!tpu.dma_semaphore, #tpu.memory_space<semaphore_mem>>) src(%arg13 : memref<640xf32, #tpu.memory_space<vmem>>) dst(%dma_wait3A_46 : memref<640xf32, #tpu.memory_space<hbm>>)
      tpu.yield
    }) : () -> ()
    return
  }
}

module attributes {stable_mosaic.version = 14 : i64} {
  func.func @_proj_body(%arg0: i32, %arg1: memref<1024x256xf32, #tpu.memory_space<vmem>>, %arg2: memref<256x256xf32, #tpu.memory_space<vmem>>, %arg3: memref<1024x256xf32, #tpu.memory_space<vmem>>, %arg4: memref<2x1024x128xf32, #tpu.memory_space<vmem>>) attributes {dimension_semantics = [#tpu.dimension_semantics<arbitrary>], iteration_bounds = array<i64: 10>, scalar_prefetch = 0 : i64, scratch_operands = 0 : i64, tpu.core_type = #tpu.core_type<tc>, window_params = [{transform_indices = @transform_0, window_bounds = array<i64: 1024, 256>}, {pipeline_mode = #tpu.pipeline_mode<synchronous>, transform_indices = @transform_1, window_bounds = array<i64: 256, 256>}, {transform_indices = @transform_2, window_bounds = array<i64: 1024, 256>}, {transform_indices = @transform_3, window_bounds = array<i64: 2, 1024, 128>}]} {
    %get3A = arith.constant 0 : index
    %get3A_0 = arith.constant 0 : index
    %get3A_1 = vector.load %arg1[%get3A, %get3A_0] : memref<1024x256xf32, #tpu.memory_space<vmem>>, vector<1024x256xf32>
    %get3A_2 = arith.constant 0 : index
    %get3A_3 = arith.constant 0 : index
    %get3A_4 = vector.load %arg2[%get3A_2, %get3A_3] : memref<256x256xf32, #tpu.memory_space<vmem>>, vector<256x256xf32>
    %transpose3A = tpu.transpose %get3A_4, [1, 0] : vector<256x256xf32> -> vector<256x256xf32>
    %dot_general3A = arith.constant dense<0.000000e+00> : vector<1024x256xf32>
    %dot_general3A_5 = tpu.matmul %get3A_1, %transpose3A, %dot_general3A {dimension_numbers = #tpu.dot_dimension_numbers<[1], [0], [0], [1], [0, 0, 1, 1], [], []>, transpose_lhs_hint = false} : vector<1024x256xf32>, vector<256x256xf32>, vector<1024x256xf32> -> vector<1024x256xf32>
    %swap3A = arith.constant 0 : index
    %swap3A_6 = arith.constant 0 : index
    %swap3A_7 = vector.load %arg3[%swap3A, %swap3A_6] : memref<1024x256xf32, #tpu.memory_space<vmem>>, vector<1024x256xf32>
    tpu.vector_store %arg3[%swap3A, %swap3A_6], %dot_general3A_5 {strides = array<i32>} : memref<1024x256xf32, #tpu.memory_space<vmem>>, vector<1024x256xf32>,
    %slice3A = vector.extract_strided_slice %dot_general3A_5 {offsets = [0, 0], sizes = [1024, 128], strides = [1, 1]} : vector<1024x256xf32> to vector<1024x128xf32>
    %swap3A_8 = arith.constant 0 : index
    %swap3A_9 = arith.constant 0 : index
    %swap3A_10 = arith.constant 0 : index
    %swap3A_11 = vector.load %arg4[%swap3A_8, %swap3A_9, %swap3A_10] : memref<2x1024x128xf32, #tpu.memory_space<vmem>>, vector<1x1024x128xf32>
    %swap3A_12 = vector.shape_cast %swap3A_11 : vector<1x1024x128xf32> to vector<1024x128xf32>
    %swap3A_13 = vector.shape_cast %slice3A : vector<1024x128xf32> to vector<1x1024x128xf32>
    tpu.vector_store %arg4[%swap3A_8, %swap3A_9, %swap3A_10], %swap3A_13 {strides = array<i32>} : memref<2x1024x128xf32, #tpu.memory_space<vmem>>, vector<1x1024x128xf32>,
    %slice3A_14 = vector.extract_strided_slice %dot_general3A_5 {offsets = [0, 128], sizes = [1024, 128], strides = [1, 1]} : vector<1024x256xf32> to vector<1024x128xf32>
    %swap3A_15 = arith.constant 1 : index
    %swap3A_16 = arith.constant 0 : index
    %swap3A_17 = arith.constant 0 : index
    %swap3A_18 = vector.load %arg4[%swap3A_15, %swap3A_16, %swap3A_17] : memref<2x1024x128xf32, #tpu.memory_space<vmem>>, vector<1x1024x128xf32>
    %swap3A_19 = vector.shape_cast %swap3A_18 : vector<1x1024x128xf32> to vector<1024x128xf32>
    %swap3A_20 = vector.shape_cast %slice3A_14 : vector<1024x128xf32> to vector<1x1024x128xf32>
    tpu.vector_store %arg4[%swap3A_15, %swap3A_16, %swap3A_17], %swap3A_20 {strides = array<i32>} : memref<2x1024x128xf32, #tpu.memory_space<vmem>>, vector<1x1024x128xf32>,
    return
  }
  func.func @transform_0(%arg0: i32) -> (i32, i32) {
    %c0_i32 = arith.constant 0 : i32
    %c0_i32_0 = arith.constant 0 : i32
    return %arg0, %c0_i32 : i32, i32
  }
  func.func @transform_1(%arg0: i32) -> (i32, i32) {
    %c0_i32 = arith.constant 0 : i32
    %c0_i32_0 = arith.constant 0 : i32
    %c0_i32_1 = arith.constant 0 : i32
    return %c0_i32, %c0_i32_0 : i32, i32
  }
  func.func @transform_2(%arg0: i32) -> (i32, i32) {
    %c0_i32 = arith.constant 0 : i32
    %c0_i32_0 = arith.constant 0 : i32
    return %arg0, %c0_i32 : i32, i32
  }
  func.func @transform_3(%arg0: i32) -> (i32, i32, i32) {
    %c0_i32 = arith.constant 0 : i32
    %c0_i32_0 = arith.constant 0 : i32
    %c0_i32_1 = arith.constant 0 : i32
    return %c0_i32, %arg0, %c0_i32_0 : i32, i32, i32
  }
}

module attributes {stable_mosaic.version = 14 : i64} {
  func.func @_sage_mid_body(%arg0: i32, %arg1: memref<2x1024x128xf32, #tpu.memory_space<vmem>>, %arg2: memref<1024x1xf32, #tpu.memory_space<vmem>>, %arg3: memref<1024x256xf32, #tpu.memory_space<vmem>>, %arg4: memref<256x256xf32, #tpu.memory_space<vmem>>, %arg5: memref<1x256xf32, #tpu.memory_space<vmem>>, %arg6: memref<256x256xf32, #tpu.memory_space<vmem>>, %arg7: memref<1024x256xf32, #tpu.memory_space<vmem>>, %arg8: memref<2x1024x128xf32, #tpu.memory_space<vmem>>) attributes {dimension_semantics = [#tpu.dimension_semantics<arbitrary>], iteration_bounds = array<i64: 10>, scalar_prefetch = 0 : i64, scratch_operands = 0 : i64, tpu.core_type = #tpu.core_type<tc>, window_params = [{transform_indices = @transform_0, window_bounds = array<i64: 2, 1024, 128>}, {transform_indices = @transform_1, window_bounds = array<i64: 1024, 1>}, {transform_indices = @transform_2, window_bounds = array<i64: 1024, 256>}, {pipeline_mode = #tpu.pipeline_mode<synchronous>, transform_indices = @transform_3, window_bounds = array<i64: 256, 256>}, {pipeline_mode = #tpu.pipeline_mode<synchronous>, transform_indices = @transform_4, window_bounds = array<i64: 1, 256>}, {pipeline_mode = #tpu.pipeline_mode<synchronous>, transform_indices = @transform_5, window_bounds = array<i64: 256, 256>}, {transform_indices = @transform_6, window_bounds = array<i64: 1024, 256>}, {transform_indices = @transform_7, window_bounds = array<i64: 2, 1024, 128>}]} {
    %get3A = arith.constant 0 : index
    %get3A_0 = arith.constant 0 : index
    %get3A_1 = arith.constant 0 : index
    %get3A_2 = vector.load %arg1[%get3A, %get3A_0, %get3A_1] : memref<2x1024x128xf32, #tpu.memory_space<vmem>>, vector<1x1024x128xf32>
    %get3A_3 = vector.shape_cast %get3A_2 : vector<1x1024x128xf32> to vector<1024x128xf32>
    %get3A_4 = arith.constant 1 : index
    %get3A_5 = arith.constant 0 : index
    %get3A_6 = arith.constant 0 : index
    %get3A_7 = vector.load %arg1[%get3A_4, %get3A_5, %get3A_6] : memref<2x1024x128xf32, #tpu.memory_space<vmem>>, vector<1x1024x128xf32>
    %get3A_8 = vector.shape_cast %get3A_7 : vector<1x1024x128xf32> to vector<1024x128xf32>
    %concatenate3A = tpu.concatenate %get3A_3, %get3A_8 in 1 : vector<1024x128xf32>, vector<1024x128xf32> -> vector<1024x256xf32>
    %get3A_9 = arith.constant 0 : index
    %get3A_10 = arith.constant 0 : index
    %get3A_11 = vector.load %arg2[%get3A_9, %get3A_10] : memref<1024x1xf32, #tpu.memory_space<vmem>>, vector<1024x1xf32>
    %max3A = arith.constant 1.000000e+00 : f32
    %max3A_12 = vector.broadcast %max3A : f32 to vector<1024x1xf32>
    %max3A_13 = arith.maximumf %get3A_11, %max3A_12 : vector<1024x1xf32>
    %div3A = vector.broadcast %max3A_13 : vector<1024x1xf32> to vector<1024x256xf32>
    %div3A_14 = arith.divf %concatenate3A, %div3A : vector<1024x256xf32>
    %get3A_15 = arith.constant 0 : index
    %get3A_16 = arith.constant 0 : index
    %get3A_17 = vector.load %arg4[%get3A_15, %get3A_16] : memref<256x256xf32, #tpu.memory_space<vmem>>, vector<256x256xf32>
    %transpose3A = tpu.transpose %get3A_17, [1, 0] : vector<256x256xf32> -> vector<256x256xf32>
    %dot_general3A = arith.constant dense<0.000000e+00> : vector<1024x256xf32>
    %dot_general3A_18 = tpu.matmul %div3A_14, %transpose3A, %dot_general3A {dimension_numbers = #tpu.dot_dimension_numbers<[1], [0], [0], [1], [0, 0, 1, 1], [], []>, transpose_lhs_hint = false} : vector<1024x256xf32>, vector<256x256xf32>, vector<1024x256xf32> -> vector<1024x256xf32>
    %get3A_19 = arith.constant 0 : index
    %get3A_20 = arith.constant 0 : index
    %get3A_21 = vector.load %arg5[%get3A_19, %get3A_20] : memref<1x256xf32, #tpu.memory_space<vmem>>, vector<1x256xf32>
    %add3A = vector.broadcast %get3A_21 : vector<1x256xf32> to vector<1024x256xf32>
    %add3A_22 = arith.addf %dot_general3A_18, %add3A : vector<1024x256xf32>
    %get3A_23 = arith.constant 0 : index
    %get3A_24 = arith.constant 0 : index
    %get3A_25 = vector.load %arg3[%get3A_23, %get3A_24] : memref<1024x256xf32, #tpu.memory_space<vmem>>, vector<1024x256xf32>
    %get3A_26 = arith.constant 0 : index
    %get3A_27 = arith.constant 0 : index
    %get3A_28 = vector.load %arg6[%get3A_26, %get3A_27] : memref<256x256xf32, #tpu.memory_space<vmem>>, vector<256x256xf32>
    %transpose3A_29 = tpu.transpose %get3A_28, [1, 0] : vector<256x256xf32> -> vector<256x256xf32>
    %dot_general3A_30 = arith.constant dense<0.000000e+00> : vector<1024x256xf32>
    %dot_general3A_31 = tpu.matmul %get3A_25, %transpose3A_29, %dot_general3A_30 {dimension_numbers = #tpu.dot_dimension_numbers<[1], [0], [0], [1], [0, 0, 1, 1], [], []>, transpose_lhs_hint = false} : vector<1024x256xf32>, vector<256x256xf32>, vector<1024x256xf32> -> vector<1024x256xf32>
    %add3A_32 = arith.addf %add3A_22, %dot_general3A_31 : vector<1024x256xf32>
    %max3A_33 = arith.constant 0.000000e+00 : f32
    %max3A_34 = vector.broadcast %max3A_33 : f32 to vector<1024x256xf32>
    %max3A_35 = arith.maximumf %add3A_32, %max3A_34 : vector<1024x256xf32>
    %swap3A = arith.constant 0 : index
    %swap3A_36 = arith.constant 0 : index
    %swap3A_37 = vector.load %arg7[%swap3A, %swap3A_36] : memref<1024x256xf32, #tpu.memory_space<vmem>>, vector<1024x256xf32>
    tpu.vector_store %arg7[%swap3A, %swap3A_36], %max3A_35 {strides = array<i32>} : memref<1024x256xf32, #tpu.memory_space<vmem>>, vector<1024x256xf32>,
    %slice3A = vector.extract_strided_slice %max3A_35 {offsets = [0, 0], sizes = [1024, 128], strides = [1, 1]} : vector<1024x256xf32> to vector<1024x128xf32>
    %swap3A_38 = arith.constant 0 : index
    %swap3A_39 = arith.constant 0 : index
    %swap3A_40 = arith.constant 0 : index
    %swap3A_41 = vector.load %arg8[%swap3A_38, %swap3A_39, %swap3A_40] : memref<2x1024x128xf32, #tpu.memory_space<vmem>>, vector<1x1024x128xf32>
    %swap3A_42 = vector.shape_cast %swap3A_41 : vector<1x1024x128xf32> to vector<1024x128xf32>
    %swap3A_43 = vector.shape_cast %slice3A : vector<1024x128xf32> to vector<1x1024x128xf32>
    tpu.vector_store %arg8[%swap3A_38, %swap3A_39, %swap3A_40], %swap3A_43 {strides = array<i32>} : memref<2x1024x128xf32, #tpu.memory_space<vmem>>, vector<1x1024x128xf32>,
    %slice3A_44 = vector.extract_strided_slice %max3A_35 {offsets = [0, 128], sizes = [1024, 128], strides = [1, 1]} : vector<1024x256xf32> to vector<1024x128xf32>
    %swap3A_45 = arith.constant 1 : index
    %swap3A_46 = arith.constant 0 : index
    %swap3A_47 = arith.constant 0 : index
    %swap3A_48 = vector.load %arg8[%swap3A_45, %swap3A_46, %swap3A_47] : memref<2x1024x128xf32, #tpu.memory_space<vmem>>, vector<1x1024x128xf32>
    %swap3A_49 = vector.shape_cast %swap3A_48 : vector<1x1024x128xf32> to vector<1024x128xf32>
    %swap3A_50 = vector.shape_cast %slice3A_44 : vector<1024x128xf32> to vector<1x1024x128xf32>
    tpu.vector_store %arg8[%swap3A_45, %swap3A_46, %swap3A_47], %swap3A_50 {strides = array<i32>} : memref<2x1024x128xf32, #tpu.memory_space<vmem>>, vector<1x1024x128xf32>,
    return
  }
  func.func @transform_0(%arg0: i32) -> (i32, i32, i32) {
    %c0_i32 = arith.constant 0 : i32
    %c0_i32_0 = arith.constant 0 : i32
    %c0_i32_1 = arith.constant 0 : i32
    return %c0_i32, %arg0, %c0_i32_0 : i32, i32, i32
  }
  func.func @transform_1(%arg0: i32) -> (i32, i32) {
    %c0_i32 = arith.constant 0 : i32
    %c0_i32_0 = arith.constant 0 : i32
    return %arg0, %c0_i32 : i32, i32
  }
  func.func @transform_2(%arg0: i32) -> (i32, i32) {
    %c0_i32 = arith.constant 0 : i32
    %c0_i32_0 = arith.constant 0 : i32
    return %arg0, %c0_i32 : i32, i32
  }
  func.func @transform_3(%arg0: i32) -> (i32, i32) {
    %c0_i32 = arith.constant 0 : i32
    %c0_i32_0 = arith.constant 0 : i32
    %c0_i32_1 = arith.constant 0 : i32
    return %c0_i32, %c0_i32_0 : i32, i32
  }
  func.func @transform_4(%arg0: i32) -> (i32, i32) {
    %c0_i32 = arith.constant 0 : i32
    %c0_i32_0 = arith.constant 0 : i32
    %c0_i32_1 = arith.constant 0 : i32
    return %c0_i32, %c0_i32_0 : i32, i32
  }
  func.func @transform_5(%arg0: i32) -> (i32, i32) {
    %c0_i32 = arith.constant 0 : i32
    %c0_i32_0 = arith.constant 0 : i32
    %c0_i32_1 = arith.constant 0 : i32
    return %c0_i32, %c0_i32_0 : i32, i32
  }
  func.func @transform_6(%arg0: i32) -> (i32, i32) {
    %c0_i32 = arith.constant 0 : i32
    %c0_i32_0 = arith.constant 0 : i32
    return %arg0, %c0_i32 : i32, i32
  }
  func.func @transform_7(%arg0: i32) -> (i32, i32, i32) {
    %c0_i32 = arith.constant 0 : i32
    %c0_i32_0 = arith.constant 0 : i32
    %c0_i32_1 = arith.constant 0 : i32
    return %c0_i32, %arg0, %c0_i32_0 : i32, i32, i32
  }
}

module attributes {stable_mosaic.version = 14 : i64} {
  func.func @_sage_fin_body(%arg0: i32, %arg1: memref<2x1024x128xf32, #tpu.memory_space<vmem>>, %arg2: memref<1024x1xf32, #tpu.memory_space<vmem>>, %arg3: memref<1024x256xf32, #tpu.memory_space<vmem>>, %arg4: memref<256x256xf32, #tpu.memory_space<vmem>>, %arg5: memref<1x256xf32, #tpu.memory_space<vmem>>, %arg6: memref<256x256xf32, #tpu.memory_space<vmem>>, %arg7: memref<1024x256xf32, #tpu.memory_space<vmem>>) attributes {dimension_semantics = [#tpu.dimension_semantics<arbitrary>], iteration_bounds = array<i64: 10>, scalar_prefetch = 0 : i64, scratch_operands = 0 : i64, tpu.core_type = #tpu.core_type<tc>, window_params = [{transform_indices = @transform_0, window_bounds = array<i64: 2, 1024, 128>}, {transform_indices = @transform_1, window_bounds = array<i64: 1024, 1>}, {transform_indices = @transform_2, window_bounds = array<i64: 1024, 256>}, {pipeline_mode = #tpu.pipeline_mode<synchronous>, transform_indices = @transform_3, window_bounds = array<i64: 256, 256>}, {pipeline_mode = #tpu.pipeline_mode<synchronous>, transform_indices = @transform_4, window_bounds = array<i64: 1, 256>}, {pipeline_mode = #tpu.pipeline_mode<synchronous>, transform_indices = @transform_5, window_bounds = array<i64: 256, 256>}, {transform_indices = @transform_6, window_bounds = array<i64: 1024, 256>}]} {
    %get3A = arith.constant 0 : index
    %get3A_0 = arith.constant 0 : index
    %get3A_1 = arith.constant 0 : index
    %get3A_2 = vector.load %arg1[%get3A, %get3A_0, %get3A_1] : memref<2x1024x128xf32, #tpu.memory_space<vmem>>, vector<1x1024x128xf32>
    %get3A_3 = vector.shape_cast %get3A_2 : vector<1x1024x128xf32> to vector<1024x128xf32>
    %get3A_4 = arith.constant 1 : index
    %get3A_5 = arith.constant 0 : index
    %get3A_6 = arith.constant 0 : index
    %get3A_7 = vector.load %arg1[%get3A_4, %get3A_5, %get3A_6] : memref<2x1024x128xf32, #tpu.memory_space<vmem>>, vector<1x1024x128xf32>
    %get3A_8 = vector.shape_cast %get3A_7 : vector<1x1024x128xf32> to vector<1024x128xf32>
    %concatenate3A = tpu.concatenate %get3A_3, %get3A_8 in 1 : vector<1024x128xf32>, vector<1024x128xf32> -> vector<1024x256xf32>
    %get3A_9 = arith.constant 0 : index
    %get3A_10 = arith.constant 0 : index
    %get3A_11 = vector.load %arg2[%get3A_9, %get3A_10] : memref<1024x1xf32, #tpu.memory_space<vmem>>, vector<1024x1xf32>
    %max3A = arith.constant 1.000000e+00 : f32
    %max3A_12 = vector.broadcast %max3A : f32 to vector<1024x1xf32>
    %max3A_13 = arith.maximumf %get3A_11, %max3A_12 : vector<1024x1xf32>
    %div3A = vector.broadcast %max3A_13 : vector<1024x1xf32> to vector<1024x256xf32>
    %div3A_14 = arith.divf %concatenate3A, %div3A : vector<1024x256xf32>
    %get3A_15 = arith.constant 0 : index
    %get3A_16 = arith.constant 0 : index
    %get3A_17 = vector.load %arg4[%get3A_15, %get3A_16] : memref<256x256xf32, #tpu.memory_space<vmem>>, vector<256x256xf32>
    %transpose3A = tpu.transpose %get3A_17, [1, 0] : vector<256x256xf32> -> vector<256x256xf32>
    %dot_general3A = arith.constant dense<0.000000e+00> : vector<1024x256xf32>
    %dot_general3A_18 = tpu.matmul %div3A_14, %transpose3A, %dot_general3A {dimension_numbers = #tpu.dot_dimension_numbers<[1], [0], [0], [1], [0, 0, 1, 1], [], []>, transpose_lhs_hint = false} : vector<1024x256xf32>, vector<256x256xf32>, vector<1024x256xf32> -> vector<1024x256xf32>
    %get3A_19 = arith.constant 0 : index
    %get3A_20 = arith.constant 0 : index
    %get3A_21 = vector.load %arg5[%get3A_19, %get3A_20] : memref<1x256xf32, #tpu.memory_space<vmem>>, vector<1x256xf32>
    %add3A = vector.broadcast %get3A_21 : vector<1x256xf32> to vector<1024x256xf32>
    %add3A_22 = arith.addf %dot_general3A_18, %add3A : vector<1024x256xf32>
    %get3A_23 = arith.constant 0 : index
    %get3A_24 = arith.constant 0 : index
    %get3A_25 = vector.load %arg3[%get3A_23, %get3A_24] : memref<1024x256xf32, #tpu.memory_space<vmem>>, vector<1024x256xf32>
    %get3A_26 = arith.constant 0 : index
    %get3A_27 = arith.constant 0 : index
    %get3A_28 = vector.load %arg6[%get3A_26, %get3A_27] : memref<256x256xf32, #tpu.memory_space<vmem>>, vector<256x256xf32>
    %transpose3A_29 = tpu.transpose %get3A_28, [1, 0] : vector<256x256xf32> -> vector<256x256xf32>
    %dot_general3A_30 = arith.constant dense<0.000000e+00> : vector<1024x256xf32>
    %dot_general3A_31 = tpu.matmul %get3A_25, %transpose3A_29, %dot_general3A_30 {dimension_numbers = #tpu.dot_dimension_numbers<[1], [0], [0], [1], [0, 0, 1, 1], [], []>, transpose_lhs_hint = false} : vector<1024x256xf32>, vector<256x256xf32>, vector<1024x256xf32> -> vector<1024x256xf32>
    %add3A_32 = arith.addf %add3A_22, %dot_general3A_31 : vector<1024x256xf32>
    %mul3A = arith.mulf %add3A_32, %add3A_32 : vector<1024x256xf32>
    %reduce_sum3A = arith.constant dense<0.000000e+00> : vector<1024xf32>
    %reduce_sum3A_33 = vector.multi_reduction <add>, %mul3A, %reduce_sum3A [1] : vector<1024x256xf32> to vector<1024xf32>
    %broadcast_in_dim3A = vector.shape_cast %reduce_sum3A_33 : vector<1024xf32> to vector<1024x1xf32>
    %sqrt3A = math.sqrt %broadcast_in_dim3A : vector<1024x1xf32>
    %max3A_34 = arith.constant 9.99999996E-13 : f32
    %max3A_35 = vector.broadcast %max3A_34 : f32 to vector<1024x1xf32>
    %max3A_36 = arith.maximumf %sqrt3A, %max3A_35 : vector<1024x1xf32>
    %div3A_37 = vector.broadcast %max3A_36 : vector<1024x1xf32> to vector<1024x256xf32>
    %div3A_38 = arith.divf %add3A_32, %div3A_37 : vector<1024x256xf32>
    %swap3A = arith.constant 0 : index
    %swap3A_39 = arith.constant 0 : index
    %swap3A_40 = vector.load %arg7[%swap3A, %swap3A_39] : memref<1024x256xf32, #tpu.memory_space<vmem>>, vector<1024x256xf32>
    tpu.vector_store %arg7[%swap3A, %swap3A_39], %div3A_38 {strides = array<i32>} : memref<1024x256xf32, #tpu.memory_space<vmem>>, vector<1024x256xf32>,
    return
  }
  func.func @transform_0(%arg0: i32) -> (i32, i32, i32) {
    %c0_i32 = arith.constant 0 : i32
    %c0_i32_0 = arith.constant 0 : i32
    %c0_i32_1 = arith.constant 0 : i32
    return %c0_i32, %arg0, %c0_i32_0 : i32, i32, i32
  }
  func.func @transform_1(%arg0: i32) -> (i32, i32) {
    %c0_i32 = arith.constant 0 : i32
    %c0_i32_0 = arith.constant 0 : i32
    return %arg0, %c0_i32 : i32, i32
  }
  func.func @transform_2(%arg0: i32) -> (i32, i32) {
    %c0_i32 = arith.constant 0 : i32
    %c0_i32_0 = arith.constant 0 : i32
    return %arg0, %c0_i32 : i32, i32
  }
  func.func @transform_3(%arg0: i32) -> (i32, i32) {
    %c0_i32 = arith.constant 0 : i32
    %c0_i32_0 = arith.constant 0 : i32
    %c0_i32_1 = arith.constant 0 : i32
    return %c0_i32, %c0_i32_0 : i32, i32
  }
  func.func @transform_4(%arg0: i32) -> (i32, i32) {
    %c0_i32 = arith.constant 0 : i32
    %c0_i32_0 = arith.constant 0 : i32
    %c0_i32_1 = arith.constant 0 : i32
    return %c0_i32, %c0_i32_0 : i32, i32
  }
  func.func @transform_5(%arg0: i32) -> (i32, i32) {
    %c0_i32 = arith.constant 0 : i32
    %c0_i32_0 = arith.constant 0 : i32
    %c0_i32_1 = arith.constant 0 : i32
    return %c0_i32, %c0_i32_0 : i32, i32
  }
  func.func @transform_6(%arg0: i32) -> (i32, i32) {
    %c0_i32 = arith.constant 0 : i32
    %c0_i32_0 = arith.constant 0 : i32
    return %arg0, %c0_i32 : i32, i32
  }
}

</mosaic_0001>

<sc_bundles>
// kernel: kernel.10.cloned.1.call-start
scs
__scs_entry_jumppad:
0x0: {  	(pc) =	sbr.rel $0x88, $3  }
0x1: {  	(tag) =	ssettag $0x0;
	lr =	simm.s32 $0x1  }
0x2: {  	[smem:$0x3F98] =	sst lr;
	_ =	strace $0xD0000000  }
0x3: {  	_ = 	snop  }
0x4: {  	_ = 	snop  }
0x5: {  	_ = 	snop  }
0x6: {  	_ = 	snop  }
0x7: {  	_ = 	snop  }
__scs_overlays_trampoline_lowered:
0x8: {  	[smem:$0x3FA7] =	sst s0  }
0x9: {  	[smem:$0x3FA8] =	sst s1  }
0xa: {  	[smem:$0x3FA9] =	sst s2  }
0xb: {  	[smem:$0x3FAA] =	sst s3  }
0xc: {  	[smem:$0x3FAB] =	sst s4  }
0xd: {  	[smem:$0x3FAC] =	sst s5  }
0xe: {  	[smem:$0x3FAD] =	sst s6  }
0xf: {  	[smem:$0x3FAE] =	sst s7  }
0x10: {  	[smem:$0x3FAF] =	sst s8  }
0x11: {  	[smem:$0x3FB0] =	sst s9;
	s0 =	simm.s32 @!p0 $0x0  }
0x12: {  	s1 =	sld [smem:$0x3F96];
	s0 =	simm.s32 @p0 $0x1  }
0x13: {  	[smem:$0x3FB1] =	sst s0;
	s0 =	simm.s32 @!p1 $0x0  }
0x14: {  	s2 =	sld [smem:$0x3F95];
	s0 =	simm.s32 @p1 $0x1  }
0x15: {  	[smem:$0x3FB2] =	sst s0;
	s0 =	simm.s32 @!p2 $0x0  }
0x16: {  	s3 =	sld [smem:$0x3FDB];
	s0 =	simm.s32 @p2 $0x1  }
0x17: {  	s4 =	simm.s32 $0x1BF5;
	[smem:$0x3FB4] =	sst s0  }
0x18: {  	s0 =	sld [smem:$0x3F97];
	_ =	swait.ge [sflag:s4], $0x0  }
0x19: {  	s7 =	sld [smem:$0x3F98]  }
0x1a: {  	s8 =	sadd.s32 $0xFFFFE003, lr  }
0x1b: {  	s9 =	sadd.s32 $0xFFFFFEF7, lr;
	s5 =	simm.s32 $0xFFFFFFFF;
	p2 =	slt.u32 s8, $0xFFFFF086  }
0x1c: {  	p1 =	slt.u32 s9, $0xF7A;
	s5 =	simm.s32 @!p2 $0x0  }
0x1d: {  	s5 =	simm.s32 @p1 $0x1;
	p0 =	seq.s32 s7, s2  }
0x1e: {  	s7 =	smul.u32 @!p0 $0xF7A, s2;
	p2 =	seq.s32 @!p0 s5, $0x0  }
0x1f: {  	s9 =	smul.u32 $0xF7A, s1;
	s8 =	simm.s32 @!p0 $0x1BF5;
	p2 =	por !p2, p0  }
0x20: {  	[sflag:s8] =	ssyncset.s32 @!p0 $0xFFFFF086;
	s6 =	sadd.s32 @!p0 s3, s7;
	s7 =	simm.s32 @!p0 $0x108  }
0x21: {  	s3 =	sadd.s32 s3, s9;
	s6 =	sadd.s32 @!p0 $0x88, s6;
	s7 =	simm.s32 @p2 $0x1082  }
0x22: {  	[simem:s7], [sflag:s8] =	dma.local @!p0 [hbm:s6], $0xF7A  }
0x23: {  	s9 =	sor.u32 $0xD0000000, s2;
	s6 =	simm.s32 $0x108;
	_ =	swait.ge @!p0 [sflag:s8], $0x0  }
0x24: {  	s3 =	sadd.s32 $0x88, s3;
	s6 =	simm.s32 @!p1 $0x1082;
	[sflag:s4] =	ssyncset.s32 $0xFFFFF086  }
0x25: {  	[simem:s6], [sflag:s4] =	dma.local [hbm:s3], $0xF7A  }
0x26: {  	[smem:$0x3F98] =	sst s1;
	(tag) =	ssettag s2;
	_ =	strace s9  }
0x27: {  	s1 =	sld [smem:$0x3FA8]  }
0x28: {  	s2 =	sld [smem:$0x3FA9]  }
0x29: {  	s4 =	sld [smem:$0x3FAB]  }
0x2a: {  	p0 =	seq.s32 s5, $0x0;
	s5 =	sld [smem:$0x3FAC]  }
0x2b: {  	s6 =	sld [smem:$0x3FAD]  }
0x2c: {  	s7 =	sld [smem:$0x3FAE]  }
0x2d: {  	s3 =	simm.s32 $0x108;
	s8 =	sld [smem:$0x3FAF]  }
0x2e: {  	s3 =	simm.s32 @!p0 $0x1082;
	s9 =	sld [smem:$0x3FB0]  }
0x2f: {  	lr =	sadd.s32 s0, s3;
	s0 =	sld [smem:$0x3FA7]  }
0x30: {  	s3 =	sld [smem:$0x3FAA]  }
0x31: {  	[smem:$0x3FB3] =	sst s10  }
0x32: {  	s10 =	sld [smem:$0x3FB1];
	_ =	sdelay $0x3  }
0x33: {  	p0 =	seq.s32 s10, $0x1;
	s10 =	sld [smem:$0x3FB3];
	_ =	sdelay $0x3  }
0x34: {  	[smem:$0x3FB3] =	sst s10  }
0x35: {  	s10 =	sld [smem:$0x3FB2];
	_ =	sdelay $0x3  }
0x36: {  	p1 =	seq.s32 s10, $0x1;
	s10 =	sld [smem:$0x3FB3];
	_ =	sdelay $0x3  }
0x37: {  	[smem:$0x3FB3] =	sst s10  }
0x38: {  	s10 =	sld [smem:$0x3FB4]  }
0x39: {  	_ = 	snop;
	(pc) =	sbr.ind lr, $3  }
0x3a: {  	_ = 	snop  }
0x3b: {  	_ = 	snop  }
0x3c: {  	p2 =	seq.s32 s10, $0x1;
	s10 =	sld [smem:$0x3FB3]  }
0x3d: {  	_ =	shalt  }
0x3e: {  	_ =	shalt  }
0x3f: {  	_ =	shalt  }
0x40: {  	_ =	shalt  }
0x41: {  	_ =	shalt  }
0x42: {  	_ =	shalt  }
0x43: {  	_ =	shalt  }
0x44: {  	_ =	shalt  }
0x45: {  	_ =	shalt  }
0x46: {  	_ =	shalt  }
0x47: {  	_ =	shalt  }
0x48: {  	_ =	shalt  }
0x49: {  	_ =	shalt  }
0x4a: {  	_ =	shalt  }
0x4b: {  	_ =	shalt  }
0x4c: {  	_ =	shalt  }
0x4d: {  	_ =	shalt  }
0x4e: {  	_ =	shalt  }
0x4f: {  	_ =	shalt  }
0x50: {  	_ =	shalt  }
0x51: {  	_ =	shalt  }
0x52: {  	_ =	shalt  }
0x53: {  	_ =	shalt  }
0x54: {  	_ =	shalt  }
0x55: {  	_ =	shalt  }
0x56: {  	_ =	shalt  }
0x57: {  	_ =	shalt  }
0x58: {  	_ =	shalt  }
0x59: {  	_ =	shalt  }
0x5a: {  	_ =	shalt  }
0x5b: {  	_ =	shalt  }
0x5c: {  	_ =	shalt  }
0x5d: {  	_ =	shalt  }
0x5e: {  	_ =	shalt  }
0x5f: {  	_ =	shalt  }
0x60: {  	_ =	shalt  }
0x61: {  	_ =	shalt  }
0x62: {  	_ =	shalt  }
0x63: {  	_ =	shalt  }
0x64: {  	_ =	shalt  }
0x65: {  	_ =	shalt  }
0x66: {  	_ =	shalt  }
0x67: {  	_ =	shalt  }
0x68: {  	_ =	shalt  }
0x69: {  	_ =	shalt  }
0x6a: {  	_ =	shalt  }
0x6b: {  	_ =	shalt  }
0x6c: {  	_ =	shalt  }
0x6d: {  	_ =	shalt  }
0x6e: {  	_ =	shalt  }
0x6f: {  	_ =	shalt  }
0x70: {  	_ =	shalt  }
0x71: {  	_ =	shalt  }
0x72: {  	_ =	shalt  }
0x73: {  	_ =	shalt  }
0x74: {  	_ =	shalt  }
0x75: {  	_ =	shalt  }
0x76: {  	_ =	shalt  }
0x77: {  	_ =	shalt  }
0x78: {  	_ =	shalt  }
0x79: {  	_ =	shalt  }
0x7a: {  	_ =	shalt  }
0x7b: {  	_ =	shalt  }
0x7c: {  	_ =	shalt  }
0x7d: {  	_ =	shalt  }
0x7e: {  	_ =	shalt  }
0x7f: {  	_ =	shalt  }
0x80: {  	_ =	shalt  }
0x81: {  	_ =	shalt  }
0x82: {  	_ =	shalt  }
0x83: {  	_ =	shalt  }
0x84: {  	_ =	shalt  }
0x85: {  	_ =	shalt  }
0x86: {  	_ =	shalt  }
0x87: {  	_ =	shalt  }
.Lfunc_end0:
.L_simem_size_0:
called_computation.1_lowered:
.L_overlay_start_0:
0x88: {  	s2 =	sld [smem:$0x3FD9]  }
0x89: {  	s3 =	sld [smem:$0x3FFE];
	_ =	sdelay $0x1  }
0x8a: {  	s1 =	srdreg.scid  }
0x8b: {  	s0 =	sand.u32 $0x1, s1  }
0x8c: {  	s17 =	sshll.u32 s0, $0xA;
	s2 =	sadd.s32 s3, s2  }
0x8d: {  	s2 =	sadd.s32 s2, s17  }
0x8e: {  	[smem:$0x3FBF] =	sst s2  }
0x8f: {  	_ = 	snop  }
0x90: {  	s2 =	sld [smem:$0x3FD0];
	(tm) =	ssettm $0x1  }
0x91: {  	s18 =	sld [smem:$0x3FFB];
	_ =	sdelay $0x3  }
0x92: {  	_ =	strace s18  }
0x93: {  	s3 =	sld [smem:$0x3FFC];
	_ =	sdelay $0x3  }
0x94: {  	_ =	strace s3  }
0x95: {  	s3 =	sld [smem:$0x3FFD];
	_ =	sdelay $0x3  }
0x96: {  	_ =	strace s3  }
0x97: {  	_ =	strace $0x8FFFFFFF  }
0x98: {  	s19 =	sld [smem:$0x3FDB];
	_ =	sdelay $0x1  }
0x99: {  	s4 =	simm.s32 $_scs_section_size  }
0x9a: {  	s5 =	simm.s32 $_size__tile_overlayer_lowered;
	s6 =	simm.s32 $_tile_overlayer_lowered  }
0x9b: {  	s22 =	simm.s32 $0x1BFF;
	s21 =	sshll.u32 s6, $0x1;
	s3 =	sadd.s32 s4, s19  }
0x9c: {  	s7 =	simm.s32 $0x0;
	s20 =	sshll.u32 s5, $0x1;
	s5 =	sadd.s32 s21, s3  }
0x9d: {  	[timem:s7], [sflag:s22] =	dma.local [hbm:s5], s20  }
0x9e: {  	_ =	swait.ge [sflag:s22], s20  }
0x9f: {  	s4 =	ssub.s32 $0x0, s20;
	[sflag:s22] =	ssyncset.done $0x0  }
0xa0: {  	[sflag:s22] =	ssyncadd.s32 s4;
	_ =	sdelay $0x1  }
0xa1: {  	s23 =	simm.s32 $0x1B8B  }
0xa2: {  	_ =	swait.ge [sflag:s23], $0x1  }
0xa3: {  	[sflag:s23] =	ssyncset.done $0x0  }
0xa4: {  	s25 =	simm.s32 $0x1B8E;
	s24 =	sld [smem:$0x3FFE];
	[sflag:s23] =	ssyncadd.s32 $0xFFFFFFFF  }
0xa5: {  	s26 =	simm.s32 $execute0_lowered;
	[smem:$0x3FD2] =	sst s25  }
0xa6: {  	s5 =	sshll.u32 s26, $0x1;
	_ =	strace $0x80000049;
	[dreg:$0x1] =	wrdreg $0xFFFFFFFF  }
0xa7: {  	s28 =	simm.s32 $_size_execute0_lowered;
	s3 =	sadd.s32 s3, s5;
	[dreg:$0x0] =	wrdreg $0x0  }
0xa8: {  	s5 =	sshll.u32 s28, $0x1;
	[dreg:$0x2] =	wrdreg s3  }
0xa9: {  	[dreg:$0x3] =	wrdreg s5  }
0xaa: {  	[dreg:$0x4] =	wrdreg $0xC0  }
0xab: {  	_ =	task [dreg:s7], $0x5FFFF  }
0xac: {  	[dreg:$0x1] =	wrdreg $0xFFFFFFFF  }
0xad: {  	[dreg:$0x0] =	wrdreg $0x60  }
0xae: {  	[dreg:$0x2] =	wrdreg s24  }
0xaf: {  	[dreg:$0x3] =	wrdreg s2  }
0xb0: {  	[dreg:$0x4] =	wrdreg $0x93000  }
0xb1: {  	[dreg:$0x5] =	wrdreg $0x1D3000  }
0xb2: {  	[dreg:$0x6] =	wrdreg $0x9  }
0xb3: {  	_ =	task.clear_ibuf [dreg:s7], $0x7FFFF;
	_ =	strace $0x90000049  }
0xb4: {  	s29 =	simm.s32 $0x9;
	_ =	strace $0x8000004B  }
0xb5: {  	_ =	swait.ge [sflag:s29], $0x1  }
0xb6: {  	[sflag:s29] =	ssyncadd.s32 $0xFFFFFFFF  }
0xb7: {  	_ =	strace $0x9000004B  }
0xb8: {  	_ =	sfence  }
0xb9: {  	s30 =	sld [smem:$0x0];
	_ =	sdelay $0x2  }
0xba: {  	s31 =	sshll.u32 s1, $0xD;
	s1 =	sshrl.u32 s1, $0x2  }
0xbb: {  	s3 =	sand.u32 $0x4000, s31;
	s1 =	sadd.s32 s1, s30  }
0xbc: {  	s0 =	sor.u32 s3, s0;
	s1 =	sshll.u32 s1, $0x11  }
0xbd: {  	s0 =	sor.u32 s1, s0  }
0xbe: {  	s0 =	sadd.s32 $0x8F2B, s0  }
0xbf: {  	[sflag:s0] =	ssyncadd.remote.s32 $0x1  }
0xc0: {  	_ =	sfence.sel $0xFFFF  }
0xc1: {  	[dreg:$0x0] =	wrdreg $0xFFFFFFFF;
	(pc) =	sbr.abs _section_cstart, $3  }
0xc2: {  	[dreg:$0x1] =	wrdreg $0xFFFFFFFF  }
0xc3: {  	_ =	task.clear_ibuf [dreg:s7], $0x2FFFF;
	_ =	strace $0x9FFFFFFF  }
0xc4: {  	(tm) =	ssettm $0x7FFFFFFF  }
0xc5: {  	_ =	shalt  }
tec
execute0_lowered:
.L_overlay_start_1:
0x0: {  	(tag) =	ssettag $0x1  }
0x1: {  	s0 =	rddreg [dreg:$0x0]  }
0x2: {  	s1 =	rddreg [dreg:$0x1]  }
0x3: {  	s2 =	rddreg [dreg:$0x2]  }
0x4: {  	s3 =	rddreg [dreg:$0x3];
	s4 =	simm.s32 $0x0  }
0x5: {  	s15 =	stileid.u32;
	s19 =	srdreg.scid;
	s29 =	simm.s32 $0x2  }
0x6: {  	s31 =	simm.s32 $0x9000;
	s30 =	simm.s32 $0x1;
	[smem:$0x7FF] =	sst s4  }
0x7: {  	s6 =	smul.u32 $0x500, s15;
	s5 =	sadd.s32 $0x7000, s0;
	s8 =	sadd.s32 $0xA7200, s0  }
0x8: {  	s9 =	sadd.s32 $0xA7000, s0;
	s20 =	sadd.s32 $0xA8400, s0;
	s12 =	smul.u32 $0xA00, s15  }
0x9: {  	s22 =	smul.u32 $0x280, s15;
	_ =	strace $0x8000004A;
	[dreg:$0x5] =	wrdreg s8  }
0xa: {  	s26 =	smul.u32 $0x50000, s15;
	[dreg:$0x6] =	wrdreg s9;
	s8 =	sand.u32 $0x1, s19  }
0xb: {  	s19 =	smul.u32 $0xA0, s15;
	s7 =	sadd.s32 s6, s0;
	s10 =	sshll.u32 s8, $0x4  }
0xc: {  	s11 =	ssub.s32 $0x2, s8;
	s8 =	smul.u32 $0x2800, s8;
	s1 =	sadd.s32 s1, s6  }
0xd: {  	s24 =	sshrl.u32 s12, $0x2;
	s25 =	sadd.s32 $0x180, s22;
	s28 =	sadd.s32 $0x200, s22  }
0xe: {  	s6 =	simm.s32 $0x9080;
	s0 =	sadd.s32 s10, s0;
	s21 =	sshrl.u32 s11, $0x1  }
0xf: {  	[dreg:$0x7] =	wrdreg s1;
	s23 =	sadd.s32 $0x2000, s7;
	s7 =	sshrl.u32 s26, $0x2  }
0x10: {  	s15 =	sadd.s32 s24, s3;
	s24 =	sshll.u32 s25, $0x7;
	s26 =	sshll.u32 s28, $0x7  }
0x11: {  	s1 =	simm.s32 $0x80;
	s10 =	ssub.s32 s11, s21;
	[dreg:$0x8] =	wrdreg s23  }
0x12: {  	s21 =	sadd.s32 $0x80, s22;
	s23 =	sadd.s32 $0x100, s22;
	s14 =	sadd.s32 s8, s22  }
0x13: {  	s13 =	sadd.s32 s8, s25;
	s0 =	sadd.s32 $0xA7A00, s0;
	s24 =	sadd.s32 s24, s2  }
0x14: {  	s25 =	sadd.s32 s25, s3;
	s26 =	sadd.s32 s26, s2;
	s11 =	sshll.u32 s14, $0x4  }
0x15: {  	s16 =	sadd.s32 s8, s21;
	s18 =	sadd.s32 s8, s23;
	s13 =	sshll.u32 s13, $0x4  }
0x16: {  	s14 =	sadd.s32 s8, s28;
	s28 =	sadd.s32 s28, s3;
	s11 =	sadd.s32 s20, s11  }
0x17: {  	s17 =	sshll.u32 s16, $0x4;
	s12 =	sshll.u32 s18, $0x4;
	s13 =	sadd.s32 s20, s13  }
0x18: {  	s14 =	sshll.u32 s14, $0x4;
	s16 =	sadd.s32 s7, s2;
	s18 =	sadd.s32 s19, s0  }
0x19: {  	s19 =	sadd.s32 s22, s3;
	s22 =	sshll.u32 s23, $0x7;
	s23 =	sadd.s32 s23, s3  }
0x1a: {  	s0 =	simm.s32 $0x5000;
	s7 =	simm.s32 $0x0;
	[dreg:$0x9] =	wrdreg s11  }
0x1b: {  	s11 =	sadd.s32 s20, s17;
	s12 =	sadd.s32 s20, s12;
	s14 =	sadd.s32 s20, s14  }
0x1c: {  	s17 =	smax.u32 s10, $0x1;
	s20 =	sshll.u32 s21, $0x7;
	s21 =	sadd.s32 s21, s3  }
0x1d: {  	v0 =	vmov s8;
	s22 =	sadd.s32 s22, s2;
	[dreg:$0xa] =	wrdreg s11;
	s20 =	sadd.s32 s20, s2  }
.LBB2_1:
0x1e: {  	s8 =	rddreg [dreg:$0x7]  }
0x1f: {  	[tilespmem:s4], [sflag:$0x2] =	stream.linear.gather [hbm4b:s8+s4], $0x2780, $0x38;
	[tilespmem:$0x1D580] =	vst v63  }
0x20: {  	_ =	swait.ge [sflag:s29], $0x2780  }
0x21: {  	[sflag:s29] =	ssyncset.done $0x0  }
0x22: {  	s9 =	simm.s32 $0x2800;
	s10 =	rddreg [dreg:$0x8];
	[sflag:s29] =	ssyncadd.s32 $0xFFFFD880  }
0x23: {  	[tilespmem:s9], [sflag:$0x2] =	stream.linear.gather [hbm4b:s10+s4], $0x2780, $0x38;
	[tilespmem:$0x1D580] =	vst v63  }
0x24: {  	_ =	swait.ge [sflag:s29], $0x2780  }
0x25: {  	[sflag:s29] =	ssyncset.done $0x0  }
0x26: {  	s11 =	rddreg [dreg:$0x6];
	[sflag:s29] =	ssyncadd.s32 $0xFFFFD880  }
0x27: {  	[tilespmem:s31], [sflag:$0x2] =	stream.linear.gather [hbm4b:s11+s4], $0x80, $0x38;
	[tilespmem:$0x1D580] =	vst v63  }
0x28: {  	_ =	swait.ge [sflag:s29], $0x80  }
0x29: {  	[sflag:s29] =	ssyncset.done $0x0  }
0x2a: {  	s8 =	simm.s32 $0x40;
	[sflag:s29] =	ssyncadd.s32 $0xFFFFFF80  }
0x2b: {  	v3 =	vld [tilespmem:s8+$0xFFFFFFC0]  }
0x2c: {  	v4 =	vld [tilespmem:s8+$0xFFFFFFD0]  }
0x2d: {  	v5 =	vld [tilespmem:s8+$0xFFFFFFE0]  }
0x2e: {  	v2 =	vld [tilespmem:s8+$0x0]  }
0x2f: {  	v1 =	vld [tilespmem:s8+$0x10]  }
0x30: {  	v6 =	vadd.s32 v0, v3;
	v3 =	vld [tilespmem:s8+$0x20]  }
0x31: {  	[tilespmem:s8+$0xFFFFFFC0] =	vst v6;
	v6 =	vadd.s32 v0, v4;
	v4 =	vld [tilespmem:s8+$0x30]  }
0x32: {  	s9 =	simm.s32 $0x0;
	s10 =	simm.s32 $0xC0;
	[tilespmem:s8+$0xFFFFFFD0] =	vst v6;
	v6 =	vadd.s32 v0, v5;
	v5 =	vld [tilespmem:s8+$0xFFFFFFF0]  }
.LBB2_2:
0x33: {  	v7 =	vld [tilespmem:s10+$0xFFFFFFC0];
	[tilespmem:s8+$0xFFFFFFE0] =	vst v6;
	v2 =	vadd.s32 v0, v2  }
0x34: {  	s9 =	sadd.s32 $0x8, s9;
	v6 =	vld [tilespmem:s10+$0xFFFFFFD0];
	[tilespmem:s8+$0x0] =	vst v2;
	v1 =	vadd.s32 v0, v1  }
0x35: {  	p0 =	slt.u32 s9, $0x270;
	v8 =	vld [tilespmem:s10+$0xFFFFFFE0];
	[tilespmem:s8+$0x10] =	vst v1;
	v1 =	vadd.s32 v0, v3  }
.Ltmp0:
0x36: {  	v2 =	vld [tilespmem:s10+$0x0];
	[tilespmem:s8+$0x20] =	vst v1;
	v3 =	vadd.s32 v0, v4;
	(pc) =	sbr.rel @p0 .LBB2_2-.Ltmp0, $4  }
0x37: {  	v1 =	vld [tilespmem:s10+$0x10];
	v4 =	vadd.s32 v0, v5;
	[tilespmem:s8+$0x30] =	vst v3  }
0x38: {  	v5 =	vadd.s32 v0, v7;
	v3 =	vld [tilespmem:s10+$0x20];
	[tilespmem:s8+$0xFFFFFFF0] =	vst v4;
	s8 =	smov.u32 s10  }
0x39: {  	[tilespmem:s10+$0xFFFFFFC0] =	vst v5;
	v5 =	vadd.s32 v0, v6;
	v4 =	vld [tilespmem:s10+$0x30]  }
0x3a: {  	s10 =	sadd.s32 $0x80, s10;
	[tilespmem:s8+$0xFFFFFFD0] =	vst v5;
	v6 =	vadd.s32 v0, v8;
	v5 =	vld [tilespmem:s8+$0xFFFFFFF0]  }
0x3b: {  	[tilespmem:s8+$0xFFFFFFE0] =	vst v6;
	v2 =	vadd.s32 v0, v2  }
0x3c: {  	[tilespmem:s8+$0x0] =	vst v2;
	v1 =	vadd.s32 v0, v1  }
0x3d: {  	[tilespmem:s8+$0x10] =	vst v1;
	v1 =	vadd.s32 v0, v3  }
0x3e: {  	[tilespmem:s8+$0x20] =	vst v1;
	v1 =	vadd.s32 v0, v4  }
0x3f: {  	v2 =	vadd.s32 v0, v5;
	[tilespmem:s8+$0x30] =	vst v1  }
0x40: {  	s11 =	simm.s32 $0x0;
	s9 =	rddreg [dreg:$0x5];
	[tilespmem:s8+$0xFFFFFFF0] =	vst v2  }
0x41: {  	[tilespmem:s0], [sflag:$0x2] =	stream.linear.gather [hbm4b:s9+s11], $0x4000, $0x38;
	[tilespmem:$0x1D580] =	vst v63  }
0x42: {  	_ =	swait.ge [sflag:s29], $0x4000  }
0x43: {  	[sflag:s29] =	ssyncset.done $0x0  }
0x44: {  	[sflag:s29] =	ssyncadd.s32 $0xFFFFC000  }
0x45: {  	[spmem:s16] =	stream.linear.scatter [tilespmem:s0], [sflag:$0x2], $0x4000, $0x38;
	[tilespmem:$0x1D580] =	vst v63  }
0x46: {  	_ =	swait.ge [sflag:s29], $0x4000  }
0x47: {  	[sflag:s29] =	ssyncset.done $0x0  }
0x48: {  	[sflag:s29] =	ssyncadd.s32 $0xFFFFC000  }
0x49: {  	[spmem:s19] =	stream.linear.scatter [tilespmem:s0], [sflag:$0x2], $0x80, $0x38;
	[tilespmem:$0x1D580] =	vst v63  }
0x4a: {  	_ =	swait.ge [sflag:s29], $0x80  }
0x4b: {  	[sflag:s29] =	ssyncset.done $0x0  }
0x4c: {  	[sflag:s29] =	ssyncadd.s32 $0xFFFFFF80  }
0x4d: {  	[spmem:s20] =	stream.linear.scatter [tilespmem:s0], [sflag:$0x2], $0x4000, $0x38;
	[tilespmem:$0x1D580] =	vst v63  }
0x4e: {  	_ =	swait.ge [sflag:s29], $0x4000  }
0x4f: {  	[sflag:s29] =	ssyncset.done $0x0  }
0x50: {  	[sflag:s29] =	ssyncadd.s32 $0xFFFFC000  }
0x51: {  	[spmem:s21] =	stream.linear.scatter [tilespmem:s0], [sflag:$0x2], $0x80, $0x38;
	[tilespmem:$0x1D580] =	vst v63  }
0x52: {  	_ =	swait.ge [sflag:s29], $0x80  }
0x53: {  	[sflag:s29] =	ssyncset.done $0x0  }
0x54: {  	[sflag:s29] =	ssyncadd.s32 $0xFFFFFF80  }
0x55: {  	[spmem:s22] =	stream.linear.scatter [tilespmem:s0], [sflag:$0x2], $0x4000, $0x38;
	[tilespmem:$0x1D580] =	vst v63  }
0x56: {  	_ =	swait.ge [sflag:s29], $0x4000  }
0x57: {  	[sflag:s29] =	ssyncset.done $0x0  }
0x58: {  	[sflag:s29] =	ssyncadd.s32 $0xFFFFC000  }
0x59: {  	[spmem:s23] =	stream.linear.scatter [tilespmem:s0], [sflag:$0x2], $0x80, $0x38;
	[tilespmem:$0x1D580] =	vst v63  }
0x5a: {  	_ =	swait.ge [sflag:s29], $0x80  }
0x5b: {  	[sflag:s29] =	ssyncset.done $0x0  }
0x5c: {  	[sflag:s29] =	ssyncadd.s32 $0xFFFFFF80  }
0x5d: {  	[spmem:s24] =	stream.linear.scatter [tilespmem:s0], [sflag:$0x2], $0x4000, $0x38;
	[tilespmem:$0x1D580] =	vst v63  }
0x5e: {  	_ =	swait.ge [sflag:s29], $0x4000  }
0x5f: {  	[sflag:s29] =	ssyncset.done $0x0  }
0x60: {  	[sflag:s29] =	ssyncadd.s32 $0xFFFFC000  }
0x61: {  	[spmem:s25] =	stream.linear.scatter [tilespmem:s0], [sflag:$0x2], $0x80, $0x38;
	[tilespmem:$0x1D580] =	vst v63  }
0x62: {  	_ =	swait.ge [sflag:s29], $0x80  }
0x63: {  	[sflag:s29] =	ssyncset.done $0x0  }
0x64: {  	[sflag:s29] =	ssyncadd.s32 $0xFFFFFF80  }
0x65: {  	[spmem:s26] =	stream.linear.scatter [tilespmem:s0], [sflag:$0x2], $0x4000, $0x38;
	[tilespmem:$0x1D580] =	vst v63  }
0x66: {  	_ =	swait.ge [sflag:s29], $0x4000  }
0x67: {  	[sflag:s29] =	ssyncset.done $0x0  }
0x68: {  	[sflag:s29] =	ssyncadd.s32 $0xFFFFC000  }
0x69: {  	[spmem:s28] =	stream.linear.scatter [tilespmem:s0], [sflag:$0x2], $0x80, $0x38;
	[tilespmem:$0x1D580] =	vst v63  }
0x6a: {  	_ =	swait.ge [sflag:s29], $0x80  }
0x6b: {  	[sflag:s29] =	ssyncset.done $0x0  }
0x6c: {  	[sflag:s29] =	ssyncadd.s32 $0xFFFFFF80  }
0x6d: {  	s10 =	simm.s32 $0x0;
	[bflag:$0x0] =	sbarrier.arrive $0xFFFF  }
0x6e: {  	[tilespmem:s0], [sflag:$0x1] =	stream.indirect.gather [hbm4b:s5+s1], $0x80, s10, s1, $0xb8;
	[tilespmem:$0x1D580] =	vst v63  }
0x6f: {  	_ =	swait.ge [sflag:s30], $0x4000  }
0x70: {  	[sflag:s30] =	ssyncset.done $0x0  }
0x71: {  	s11 =	simm.s32 $0x2800;
	[sflag:s30] =	ssyncadd.s32 $0xFFFFC000  }
0x72: {  	[spmem:s2] =	stream.indirect.scatter.add.f32 [tilespmem:s0], [sflag:$0x2], $0x80, s11, s1, $0xb8;
	[tilespmem:$0x1D580] =	vst v63  }
0x73: {  	_ =	swait.ge [sflag:s29], $0x4000  }
0x74: {  	[sflag:s29] =	ssyncset.done $0x0  }
0x75: {  	[sflag:s29] =	ssyncadd.s32 $0xFFFFC000  }
0x76: {  	[spmem:s3] =	stream.indirect.scatter.add.f32 [tilespmem:s31], [sflag:$0x2], $0x1, s11, s1, $0xb8;
	[tilespmem:$0x1D580] =	vst v63  }
0x77: {  	_ =	swait.ge [sflag:s29], $0x80  }
0x78: {  	s8 =	simm.s32 $0x200;
	s9 =	simm.s32 $0x400;
	[sflag:s29] =	ssyncset.done $0x0  }
.LBB2_4:
0x79: {  	s10 =	sshra.s32 s8, $0x2  }
0x7a: {  	[sflag:s29] =	ssyncadd.s32 $0xFFFFFF80;
	s8 =	smov.u32 s9;
	s11 =	sadd.s32 $0x200, s9  }
0x7b: {  	[tilespmem:s0], [sflag:$0x1] =	stream.indirect.gather [hbm4b:s5+s1], $0x80, s10, s1, $0xb8;
	[tilespmem:$0x1D580] =	vst v63  }
0x7c: {  	p0 =	sne.s32 s9, $0x9C00;
	_ =	swait.ge [sflag:s30], $0x4000  }
0x7d: {  	[sflag:s30] =	ssyncset.done $0x0  }
0x7e: {  	s9 =	sadd.s32 $0x2800, s10;
	[sflag:s30] =	ssyncadd.s32 $0xFFFFC000  }
0x7f: {  	[spmem:s2] =	stream.indirect.scatter.add.f32 [tilespmem:s0], [sflag:$0x2], $0x80, s9, s1, $0xb8;
	[tilespmem:$0x1D580] =	vst v63  }
0x80: {  	_ =	swait.ge [sflag:s29], $0x4000  }
.Ltmp1:
0x81: {  	[sflag:s29] =	ssyncset.done $0x0;
	(pc) =	sbr.rel @p0 .LBB2_4-.Ltmp1, $4  }
0x82: {  	[sflag:s29] =	ssyncadd.s32 $0xFFFFC000  }
0x83: {  	[spmem:s3] =	stream.indirect.scatter.add.f32 [tilespmem:s31], [sflag:$0x2], $0x1, s9, s1, $0xb8;
	[tilespmem:$0x1D580] =	vst v63  }
0x84: {  	_ =	swait.ge [sflag:s29], $0x80  }
0x85: {  	s9 =	smov.u32 s11;
	[sflag:s29] =	ssyncset.done $0x0  }
0x86: {  	s8 =	sshra.s32 s8, $0x2;
	[sflag:s29] =	ssyncadd.s32 $0xFFFFFF80  }
0x87: {  	[tilespmem:s0], [sflag:$0x1] =	stream.indirect.gather [hbm4b:s5+s1], $0x80, s8, s1, $0xb8;
	[tilespmem:$0x1D580] =	vst v63  }
0x88: {  	_ =	swait.ge [sflag:s30], $0x4000  }
0x89: {  	[sflag:s30] =	ssyncset.done $0x0  }
0x8a: {  	s8 =	sadd.s32 $0x2800, s8;
	[sflag:s30] =	ssyncadd.s32 $0xFFFFC000  }
0x8b: {  	[spmem:s2] =	stream.indirect.scatter.add.f32 [tilespmem:s0], [sflag:$0x2], $0x80, s8, s1, $0xb8;
	[tilespmem:$0x1D580] =	vst v63  }
0x8c: {  	_ =	swait.ge [sflag:s29], $0x4000  }
0x8d: {  	[sflag:s29] =	ssyncset.done $0x0  }
0x8e: {  	[sflag:s29] =	ssyncadd.s32 $0xFFFFC000  }
0x8f: {  	[spmem:s3] =	stream.indirect.scatter.add.f32 [tilespmem:s31], [sflag:$0x2], $0x1, s8, s1, $0xb8;
	[tilespmem:$0x1D580] =	vst v63  }
0x90: {  	_ =	swait.ge [sflag:s29], $0x80  }
0x91: {  	[sflag:s29] =	ssyncset.done $0x0  }
0x92: {  	[sflag:s29] =	ssyncadd.s32 $0xFFFFFF80  }
0x93: {  	[bflag:$0x0] =	sbarrier.arrive $0xFFFF  }
0x94: {  	[tilespmem:s0], [sflag:$0x2] =	stream.linear.gather [spmem:s16], $0x4000, $0x38;
	[tilespmem:$0x1D580] =	vst v63  }
0x95: {  	_ =	swait.ge [sflag:s29], $0x4000  }
0x96: {  	[sflag:s29] =	ssyncset.done $0x0  }
0x97: {  	s9 =	rddreg [dreg:$0x9];
	[sflag:s29] =	ssyncadd.s32 $0xFFFFC000  }
0x98: {  	[hbm4b:s9+s4] =	stream.linear.scatter [tilespmem:s0], [sflag:$0x2], $0x4000, $0x38;
	[tilespmem:$0x1D580] =	vst v63  }
0x99: {  	_ =	swait.ge [sflag:s29], $0x4000  }
0x9a: {  	[sflag:s29] =	ssyncset.done $0x0  }
0x9b: {  	[sflag:s29] =	ssyncadd.s32 $0xFFFFC000  }
0x9c: {  	[tilespmem:s0], [sflag:$0x2] =	stream.linear.gather [spmem:s20], $0x4000, $0x38;
	[tilespmem:$0x1D580] =	vst v63  }
0x9d: {  	_ =	swait.ge [sflag:s29], $0x4000  }
0x9e: {  	[sflag:s29] =	ssyncset.done $0x0  }
0x9f: {  	s10 =	rddreg [dreg:$0xa];
	[sflag:s29] =	ssyncadd.s32 $0xFFFFC000  }
0xa0: {  	[hbm4b:s10+s4] =	stream.linear.scatter [tilespmem:s0], [sflag:$0x2], $0x4000, $0x38;
	[tilespmem:$0x1D580] =	vst v63  }
0xa1: {  	_ =	swait.ge [sflag:s29], $0x4000  }
0xa2: {  	[sflag:s29] =	ssyncset.done $0x0  }
0xa3: {  	[sflag:s29] =	ssyncadd.s32 $0xFFFFC000  }
0xa4: {  	[tilespmem:s0], [sflag:$0x2] =	stream.linear.gather [spmem:s22], $0x4000, $0x38;
	[tilespmem:$0x1D580] =	vst v63  }
0xa5: {  	_ =	swait.ge [sflag:s29], $0x4000  }
0xa6: {  	[sflag:s29] =	ssyncset.done $0x0  }
0xa7: {  	[sflag:s29] =	ssyncadd.s32 $0xFFFFC000  }
0xa8: {  	[hbm4b:s12+s4] =	stream.linear.scatter [tilespmem:s0], [sflag:$0x2], $0x4000, $0x38;
	[tilespmem:$0x1D580] =	vst v63  }
0xa9: {  	_ =	swait.ge [sflag:s29], $0x4000  }
0xaa: {  	[sflag:s29] =	ssyncset.done $0x0  }
0xab: {  	[sflag:s29] =	ssyncadd.s32 $0xFFFFC000  }
0xac: {  	[tilespmem:s0], [sflag:$0x2] =	stream.linear.gather [spmem:s24], $0x4000, $0x38;
	[tilespmem:$0x1D580] =	vst v63  }
0xad: {  	_ =	swait.ge [sflag:s29], $0x4000  }
0xae: {  	[sflag:s29] =	ssyncset.done $0x0  }
0xaf: {  	[sflag:s29] =	ssyncadd.s32 $0xFFFFC000  }
0xb0: {  	[hbm4b:s13+s4] =	stream.linear.scatter [tilespmem:s0], [sflag:$0x2], $0x4000, $0x38;
	[tilespmem:$0x1D580] =	vst v63  }
0xb1: {  	_ =	swait.ge [sflag:s29], $0x4000  }
0xb2: {  	[sflag:s29] =	ssyncset.done $0x0  }
0xb3: {  	[sflag:s29] =	ssyncadd.s32 $0xFFFFC000  }
0xb4: {  	[tilespmem:s0], [sflag:$0x2] =	stream.linear.gather [spmem:s26], $0x4000, $0x38;
	[tilespmem:$0x1D580] =	vst v63  }
0xb5: {  	_ =	swait.ge [sflag:s29], $0x4000  }
0xb6: {  	[sflag:s29] =	ssyncset.done $0x0  }
0xb7: {  	[sflag:s29] =	ssyncadd.s32 $0xFFFFC000  }
0xb8: {  	[hbm4b:s14+s4] =	stream.linear.scatter [tilespmem:s0], [sflag:$0x2], $0x4000, $0x38;
	[tilespmem:$0x1D580] =	vst v63  }
0xb9: {  	_ =	swait.ge [sflag:s29], $0x4000  }
0xba: {  	[sflag:s29] =	ssyncset.done $0x0  }
0xbb: {  	[sflag:s29] =	ssyncadd.s32 $0xFFFFC000  }
0xbc: {  	[tilespmem:s6], [sflag:$0x2] =	stream.linear.gather [spmem:s15], $0x280, $0x38;
	[tilespmem:$0x1D580] =	vst v63  }
0xbd: {  	s7 =	sadd.s32 $0x1, s7;
	_ =	swait.ge [sflag:s29], $0x280  }
0xbe: {  	p0 =	sne.s32 s7, s17;
	[sflag:s29] =	ssyncset.done $0x0  }
.Ltmp2:
0xbf: {  	s11 =	simm.s32 $0x100;
	[sflag:s29] =	ssyncadd.s32 $0xFFFFFD80;
	(pc) =	sbr.rel @p0 .LBB2_1-.Ltmp2, $4  }
0xc0: {  	[hbm4b:s18+s1] =	stream.strided.scatter [tilespmem:s6], [sflag:$0x2], $0x280, s11, s1, $0x38;
	[tilespmem:$0x1D580] =	vst v63  }
0xc1: {  	_ =	swait.ge [sflag:s29], $0x280  }
0xc2: {  	[sflag:s29] =	ssyncset.done $0x0  }
0xc3: {  	[sflag:s29] =	ssyncadd.s32 $0xFFFFFD80  }
0xc4: {  	_ =	sfence.sel $0x180000  }
0xc5: {  	[bflag:$0x0] =	sbarrier.arrive $0xFFFF  }
0xc6: {  	_ =	strace $0x9000004A  }
0xc7: {  	s0 =	stileid.u32;
	[bflag:$0x2] =	sbarrier.arrive $0xFFFF  }
0xc8: {  	p0 =	sne.s32 s0, $0x0;
	s0 =	rddreg [dreg:$0x4]  }
0xc9: {  	s0 =	sadd.s32 @!p0 $0x100000, s0  }
0xca: {  	[sflag:s0] =	ssyncadd.tile.s32 @!p0 $0x1;
	_ =	shalt  }
.Lfunc_end2:
_tile_overlayer_lowered:
.L_overlay_start_2:
0xcb: {  	(tag) =	ssettag $0x2  }
0xcc: {  	s0 =	rddreg [dreg:$0x0];
	s2 =	stileid.u32  }
0xcd: {  	s1 =	rddreg [dreg:$0x1];
	p0 =	sne.s32 s2, $0x0  }
0xce: {  	s3 =	rddreg [dreg:$0x2];
	[bflag:$0x3] =	sbarrier.arrive $0xFFFF;
	s2 =	simm.s32 @!p0 $0x1C02  }
0xcf: {  	[timem:s3], [sflag:s2] =	dma.local @!p0 [hbm:s0], s1  }
0xd0: {  	s0 =	simm.s32 @!p0 $0x2  }
0xd1: {  	_ =	swait.ge @!p0 [sflag:s0], s1  }
0xd2: {  	s1 =	ssub.s32 @!p0 $0x0, s1;
	[sflag:s0] =	ssyncset.done @!p0 $0x0  }
0xd3: {  	[sflag:s0] =	ssyncadd.s32 @!p0 s1  }
0xd4: {  	[bflag:$0x3] =	sbarrier.arrive $0xFFFF  }
0xd5: {  	_ =	shalt  }

// kernel: kernel.7.cloned.1.call-start
scs
__scs_entry_jumppad:
0x0: {  	(pc) =	sbr.rel $0x88, $3  }
0x1: {  	(tag) =	ssettag $0x0;
	lr =	simm.s32 $0x1  }
0x2: {  	[smem:$0x3F98] =	sst lr;
	_ =	strace $0xD0000000  }
0x3: {  	_ = 	snop  }
0x4: {  	_ = 	snop  }
0x5: {  	_ = 	snop  }
0x6: {  	_ = 	snop  }
0x7: {  	_ = 	snop  }
__scs_overlays_trampoline_lowered:
0x8: {  	[smem:$0x3FA7] =	sst s0  }
0x9: {  	[smem:$0x3FA8] =	sst s1  }
0xa: {  	[smem:$0x3FA9] =	sst s2  }
0xb: {  	[smem:$0x3FAA] =	sst s3  }
0xc: {  	[smem:$0x3FAB] =	sst s4  }
0xd: {  	[smem:$0x3FAC] =	sst s5  }
0xe: {  	[smem:$0x3FAD] =	sst s6  }
0xf: {  	[smem:$0x3FAE] =	sst s7  }
0x10: {  	[smem:$0x3FAF] =	sst s8  }
0x11: {  	[smem:$0x3FB0] =	sst s9;
	s0 =	simm.s32 @!p0 $0x0  }
0x12: {  	s1 =	sld [smem:$0x3F96];
	s0 =	simm.s32 @p0 $0x1  }
0x13: {  	[smem:$0x3FB1] =	sst s0;
	s0 =	simm.s32 @!p1 $0x0  }
0x14: {  	s2 =	sld [smem:$0x3F95];
	s0 =	simm.s32 @p1 $0x1  }
0x15: {  	[smem:$0x3FB2] =	sst s0;
	s0 =	simm.s32 @!p2 $0x0  }
0x16: {  	s3 =	sld [smem:$0x3FDB];
	s0 =	simm.s32 @p2 $0x1  }
0x17: {  	s4 =	simm.s32 $0x1BF5;
	[smem:$0x3FB4] =	sst s0  }
0x18: {  	s0 =	sld [smem:$0x3F97];
	_ =	swait.ge [sflag:s4], $0x0  }
0x19: {  	s7 =	sld [smem:$0x3F98]  }
0x1a: {  	s8 =	sadd.s32 $0xFFFFE003, lr  }
0x1b: {  	s9 =	sadd.s32 $0xFFFFFEF7, lr;
	s5 =	simm.s32 $0xFFFFFFFF;
	p2 =	slt.u32 s8, $0xFFFFF086  }
0x1c: {  	p1 =	slt.u32 s9, $0xF7A;
	s5 =	simm.s32 @!p2 $0x0  }
0x1d: {  	s5 =	simm.s32 @p1 $0x1;
	p0 =	seq.s32 s7, s2  }
0x1e: {  	s7 =	smul.u32 @!p0 $0xF7A, s2;
	p2 =	seq.s32 @!p0 s5, $0x0  }
0x1f: {  	s9 =	smul.u32 $0xF7A, s1;
	s8 =	simm.s32 @!p0 $0x1BF5;
	p2 =	por !p2, p0  }
0x20: {  	[sflag:s8] =	ssyncset.s32 @!p0 $0xFFFFF086;
	s6 =	sadd.s32 @!p0 s3, s7;
	s7 =	simm.s32 @!p0 $0x108  }
0x21: {  	s3 =	sadd.s32 s3, s9;
	s6 =	sadd.s32 @!p0 $0x88, s6;
	s7 =	simm.s32 @p2 $0x1082  }
0x22: {  	[simem:s7], [sflag:s8] =	dma.local @!p0 [hbm:s6], $0xF7A  }
0x23: {  	s9 =	sor.u32 $0xD0000000, s2;
	s6 =	simm.s32 $0x108;
	_ =	swait.ge @!p0 [sflag:s8], $0x0  }
0x24: {  	s3 =	sadd.s32 $0x88, s3;
	s6 =	simm.s32 @!p1 $0x1082;
	[sflag:s4] =	ssyncset.s32 $0xFFFFF086  }
0x25: {  	[simem:s6], [sflag:s4] =	dma.local [hbm:s3], $0xF7A  }
0x26: {  	[smem:$0x3F98] =	sst s1;
	(tag) =	ssettag s2;
	_ =	strace s9  }
0x27: {  	s1 =	sld [smem:$0x3FA8]  }
0x28: {  	s2 =	sld [smem:$0x3FA9]  }
0x29: {  	s4 =	sld [smem:$0x3FAB]  }
0x2a: {  	p0 =	seq.s32 s5, $0x0;
	s5 =	sld [smem:$0x3FAC]  }
0x2b: {  	s6 =	sld [smem:$0x3FAD]  }
0x2c: {  	s7 =	sld [smem:$0x3FAE]  }
0x2d: {  	s3 =	simm.s32 $0x108;
	s8 =	sld [smem:$0x3FAF]  }
0x2e: {  	s3 =	simm.s32 @!p0 $0x1082;
	s9 =	sld [smem:$0x3FB0]  }
0x2f: {  	lr =	sadd.s32 s0, s3;
	s0 =	sld [smem:$0x3FA7]  }
0x30: {  	s3 =	sld [smem:$0x3FAA]  }
0x31: {  	[smem:$0x3FB3] =	sst s10  }
0x32: {  	s10 =	sld [smem:$0x3FB1];
	_ =	sdelay $0x3  }
0x33: {  	p0 =	seq.s32 s10, $0x1;
	s10 =	sld [smem:$0x3FB3];
	_ =	sdelay $0x3  }
0x34: {  	[smem:$0x3FB3] =	sst s10  }
0x35: {  	s10 =	sld [smem:$0x3FB2];
	_ =	sdelay $0x3  }
0x36: {  	p1 =	seq.s32 s10, $0x1;
	s10 =	sld [smem:$0x3FB3];
	_ =	sdelay $0x3  }
0x37: {  	[smem:$0x3FB3] =	sst s10  }
0x38: {  	s10 =	sld [smem:$0x3FB4]  }
0x39: {  	_ = 	snop;
	(pc) =	sbr.ind lr, $3  }
0x3a: {  	_ = 	snop  }
0x3b: {  	_ = 	snop  }
0x3c: {  	p2 =	seq.s32 s10, $0x1;
	s10 =	sld [smem:$0x3FB3]  }
0x3d: {  	_ =	shalt  }
0x3e: {  	_ =	shalt  }
0x3f: {  	_ =	shalt  }
0x40: {  	_ =	shalt  }
0x41: {  	_ =	shalt  }
0x42: {  	_ =	shalt  }
0x43: {  	_ =	shalt  }
0x44: {  	_ =	shalt  }
0x45: {  	_ =	shalt  }
0x46: {  	_ =	shalt  }
0x47: {  	_ =	shalt  }
0x48: {  	_ =	shalt  }
0x49: {  	_ =	shalt  }
0x4a: {  	_ =	shalt  }
0x4b: {  	_ =	shalt  }
0x4c: {  	_ =	shalt  }
0x4d: {  	_ =	shalt  }
0x4e: {  	_ =	shalt  }
0x4f: {  	_ =	shalt  }
0x50: {  	_ =	shalt  }
0x51: {  	_ =	shalt  }
0x52: {  	_ =	shalt  }
0x53: {  	_ =	shalt  }
0x54: {  	_ =	shalt  }
0x55: {  	_ =	shalt  }
0x56: {  	_ =	shalt  }
0x57: {  	_ =	shalt  }
0x58: {  	_ =	shalt  }
0x59: {  	_ =	shalt  }
0x5a: {  	_ =	shalt  }
0x5b: {  	_ =	shalt  }
0x5c: {  	_ =	shalt  }
0x5d: {  	_ =	shalt  }
0x5e: {  	_ =	shalt  }
0x5f: {  	_ =	shalt  }
0x60: {  	_ =	shalt  }
0x61: {  	_ =	shalt  }
0x62: {  	_ =	shalt  }
0x63: {  	_ =	shalt  }
0x64: {  	_ =	shalt  }
0x65: {  	_ =	shalt  }
0x66: {  	_ =	shalt  }
0x67: {  	_ =	shalt  }
0x68: {  	_ =	shalt  }
0x69: {  	_ =	shalt  }
0x6a: {  	_ =	shalt  }
0x6b: {  	_ =	shalt  }
0x6c: {  	_ =	shalt  }
0x6d: {  	_ =	shalt  }
0x6e: {  	_ =	shalt  }
0x6f: {  	_ =	shalt  }
0x70: {  	_ =	shalt  }
0x71: {  	_ =	shalt  }
0x72: {  	_ =	shalt  }
0x73: {  	_ =	shalt  }
0x74: {  	_ =	shalt  }
0x75: {  	_ =	shalt  }
0x76: {  	_ =	shalt  }
0x77: {  	_ =	shalt  }
0x78: {  	_ =	shalt  }
0x79: {  	_ =	shalt  }
0x7a: {  	_ =	shalt  }
0x7b: {  	_ =	shalt  }
0x7c: {  	_ =	shalt  }
0x7d: {  	_ =	shalt  }
0x7e: {  	_ =	shalt  }
0x7f: {  	_ =	shalt  }
0x80: {  	_ =	shalt  }
0x81: {  	_ =	shalt  }
0x82: {  	_ =	shalt  }
0x83: {  	_ =	shalt  }
0x84: {  	_ =	shalt  }
0x85: {  	_ =	shalt  }
0x86: {  	_ =	shalt  }
0x87: {  	_ =	shalt  }
.Lfunc_end0:
.L_simem_size_0:
called_computation_lowered:
.L_overlay_start_0:
0x88: {  	s2 =	sld [smem:$0x3FD9]  }
0x89: {  	s3 =	sld [smem:$0x3FFE];
	_ =	sdelay $0x1  }
0x8a: {  	s1 =	srdreg.scid  }
0x8b: {  	s0 =	sand.u32 $0x1, s1  }
0x8c: {  	s17 =	sshll.u32 s0, $0xA;
	s2 =	sadd.s32 s3, s2  }
0x8d: {  	s2 =	sadd.s32 s2, s17  }
0x8e: {  	[smem:$0x3FBF] =	sst s2  }
0x8f: {  	_ = 	snop  }
0x90: {  	s2 =	sld [smem:$0x3FD0];
	(tm) =	ssettm $0x1  }
0x91: {  	s18 =	sld [smem:$0x3FFB];
	_ =	sdelay $0x3  }
0x92: {  	_ =	strace s18  }
0x93: {  	s3 =	sld [smem:$0x3FFC];
	_ =	sdelay $0x3  }
0x94: {  	_ =	strace s3  }
0x95: {  	s3 =	sld [smem:$0x3FFD];
	_ =	sdelay $0x3  }
0x96: {  	_ =	strace s3  }
0x97: {  	_ =	strace $0x8FFFFFFF  }
0x98: {  	s19 =	sld [smem:$0x3FDB];
	_ =	sdelay $0x1  }
0x99: {  	s4 =	simm.s32 $_scs_section_size  }
0x9a: {  	s5 =	simm.s32 $_size__tile_overlayer_lowered;
	s6 =	simm.s32 $_tile_overlayer_lowered  }
0x9b: {  	s22 =	simm.s32 $0x1BFF;
	s21 =	sshll.u32 s6, $0x1;
	s3 =	sadd.s32 s4, s19  }
0x9c: {  	s7 =	simm.s32 $0x0;
	s20 =	sshll.u32 s5, $0x1;
	s5 =	sadd.s32 s21, s3  }
0x9d: {  	[timem:s7], [sflag:s22] =	dma.local [hbm:s5], s20  }
0x9e: {  	_ =	swait.ge [sflag:s22], s20  }
0x9f: {  	s4 =	ssub.s32 $0x0, s20;
	[sflag:s22] =	ssyncset.done $0x0  }
0xa0: {  	[sflag:s22] =	ssyncadd.s32 s4;
	_ =	sdelay $0x1  }
0xa1: {  	s23 =	simm.s32 $0x1B8B  }
0xa2: {  	_ =	swait.ge [sflag:s23], $0x1  }
0xa3: {  	[sflag:s23] =	ssyncset.done $0x0  }
0xa4: {  	s25 =	simm.s32 $0x1B8E;
	s24 =	sld [smem:$0x3FFE];
	[sflag:s23] =	ssyncadd.s32 $0xFFFFFFFF  }
0xa5: {  	s26 =	simm.s32 $execute0_lowered;
	[smem:$0x3FD2] =	sst s25  }
0xa6: {  	s5 =	sshll.u32 s26, $0x1;
	_ =	strace $0x80000046;
	[dreg:$0x1] =	wrdreg $0xFFFFFFFF  }
0xa7: {  	s28 =	simm.s32 $_size_execute0_lowered;
	s3 =	sadd.s32 s3, s5;
	[dreg:$0x0] =	wrdreg $0x0  }
0xa8: {  	s5 =	sshll.u32 s28, $0x1;
	[dreg:$0x2] =	wrdreg s3  }
0xa9: {  	[dreg:$0x3] =	wrdreg s5  }
0xaa: {  	[dreg:$0x4] =	wrdreg $0xC0  }
0xab: {  	_ =	task [dreg:s7], $0x5FFFF  }
0xac: {  	[dreg:$0x1] =	wrdreg $0xFFFFFFFF  }
0xad: {  	[dreg:$0x0] =	wrdreg $0x60  }
0xae: {  	[dreg:$0x2] =	wrdreg s24  }
0xaf: {  	[dreg:$0x3] =	wrdreg s2  }
0xb0: {  	[dreg:$0x4] =	wrdreg $0x93000  }
0xb1: {  	[dreg:$0x5] =	wrdreg $0x1D3000  }
0xb2: {  	[dreg:$0x6] =	wrdreg $0x9  }
0xb3: {  	_ =	task.clear_ibuf [dreg:s7], $0x7FFFF;
	_ =	strace $0x90000046  }
0xb4: {  	s29 =	simm.s32 $0x9;
	_ =	strace $0x80000048  }
0xb5: {  	_ =	swait.ge [sflag:s29], $0x1  }
0xb6: {  	[sflag:s29] =	ssyncadd.s32 $0xFFFFFFFF  }
0xb7: {  	_ =	strace $0x90000048  }
0xb8: {  	_ =	sfence  }
0xb9: {  	s30 =	sld [smem:$0x0];
	_ =	sdelay $0x2  }
0xba: {  	s31 =	sshll.u32 s1, $0xD;
	s1 =	sshrl.u32 s1, $0x2  }
0xbb: {  	s3 =	sand.u32 $0x4000, s31;
	s1 =	sadd.s32 s1, s30  }
0xbc: {  	s0 =	sor.u32 s3, s0;
	s1 =	sshll.u32 s1, $0x11  }
0xbd: {  	s0 =	sor.u32 s1, s0  }
0xbe: {  	s0 =	sadd.s32 $0x8F2B, s0  }
0xbf: {  	[sflag:s0] =	ssyncadd.remote.s32 $0x1  }
0xc0: {  	_ =	sfence.sel $0xFFFF  }
0xc1: {  	[dreg:$0x0] =	wrdreg $0xFFFFFFFF;
	(pc) =	sbr.abs _section_cstart, $3  }
0xc2: {  	[dreg:$0x1] =	wrdreg $0xFFFFFFFF  }
0xc3: {  	_ =	task.clear_ibuf [dreg:s7], $0x2FFFF;
	_ =	strace $0x9FFFFFFF  }
0xc4: {  	(tm) =	ssettm $0x7FFFFFFF  }
0xc5: {  	_ =	shalt  }
tec
execute0_lowered:
.L_overlay_start_1:
0x0: {  	(tag) =	ssettag $0x1  }
0x1: {  	s0 =	rddreg [dreg:$0x0]  }
0x2: {  	s1 =	rddreg [dreg:$0x1]  }
0x3: {  	s2 =	rddreg [dreg:$0x2]  }
0x4: {  	s3 =	rddreg [dreg:$0x3];
	s4 =	simm.s32 $0x0  }
0x5: {  	s15 =	stileid.u32;
	s19 =	srdreg.scid;
	s29 =	simm.s32 $0x2  }
0x6: {  	s31 =	simm.s32 $0x9000;
	s30 =	simm.s32 $0x1;
	[smem:$0x7FF] =	sst s4  }
0x7: {  	s6 =	smul.u32 $0x500, s15;
	s5 =	sadd.s32 $0x7000, s0;
	s8 =	sadd.s32 $0xA7200, s0  }
0x8: {  	s9 =	sadd.s32 $0xA7000, s0;
	s20 =	sadd.s32 $0xA8400, s0;
	s12 =	smul.u32 $0xA00, s15  }
0x9: {  	s22 =	smul.u32 $0x280, s15;
	_ =	strace $0x80000047;
	[dreg:$0x5] =	wrdreg s8  }
0xa: {  	s26 =	smul.u32 $0x50000, s15;
	[dreg:$0x6] =	wrdreg s9;
	s8 =	sand.u32 $0x1, s19  }
0xb: {  	s19 =	smul.u32 $0xA0, s15;
	s7 =	sadd.s32 s6, s0;
	s10 =	sshll.u32 s8, $0x4  }
0xc: {  	s11 =	ssub.s32 $0x2, s8;
	s8 =	smul.u32 $0x2800, s8;
	s1 =	sadd.s32 s1, s6  }
0xd: {  	s24 =	sshrl.u32 s12, $0x2;
	s25 =	sadd.s32 $0x180, s22;
	s28 =	sadd.s32 $0x200, s22  }
0xe: {  	s6 =	simm.s32 $0x9080;
	s0 =	sadd.s32 s10, s0;
	s21 =	sshrl.u32 s11, $0x1  }
0xf: {  	[dreg:$0x7] =	wrdreg s1;
	s23 =	sadd.s32 $0x2000, s7;
	s7 =	sshrl.u32 s26, $0x2  }
0x10: {  	s15 =	sadd.s32 s24, s3;
	s24 =	sshll.u32 s25, $0x7;
	s26 =	sshll.u32 s28, $0x7  }
0x11: {  	s1 =	simm.s32 $0x80;
	s10 =	ssub.s32 s11, s21;
	[dreg:$0x8] =	wrdreg s23  }
0x12: {  	s21 =	sadd.s32 $0x80, s22;
	s23 =	sadd.s32 $0x100, s22;
	s14 =	sadd.s32 s8, s22  }
0x13: {  	s13 =	sadd.s32 s8, s25;
	s0 =	sadd.s32 $0xA7A00, s0;
	s24 =	sadd.s32 s24, s2  }
0x14: {  	s25 =	sadd.s32 s25, s3;
	s26 =	sadd.s32 s26, s2;
	s11 =	sshll.u32 s14, $0x4  }
0x15: {  	s16 =	sadd.s32 s8, s21;
	s18 =	sadd.s32 s8, s23;
	s13 =	sshll.u32 s13, $0x4  }
0x16: {  	s14 =	sadd.s32 s8, s28;
	s28 =	sadd.s32 s28, s3;
	s11 =	sadd.s32 s20, s11  }
0x17: {  	s17 =	sshll.u32 s16, $0x4;
	s12 =	sshll.u32 s18, $0x4;
	s13 =	sadd.s32 s20, s13  }
0x18: {  	s14 =	sshll.u32 s14, $0x4;
	s16 =	sadd.s32 s7, s2;
	s18 =	sadd.s32 s19, s0  }
0x19: {  	s19 =	sadd.s32 s22, s3;
	s22 =	sshll.u32 s23, $0x7;
	s23 =	sadd.s32 s23, s3  }
0x1a: {  	s0 =	simm.s32 $0x5000;
	s7 =	simm.s32 $0x0;
	[dreg:$0x9] =	wrdreg s11  }
0x1b: {  	s11 =	sadd.s32 s20, s17;
	s12 =	sadd.s32 s20, s12;
	s14 =	sadd.s32 s20, s14  }
0x1c: {  	s17 =	smax.u32 s10, $0x1;
	s20 =	sshll.u32 s21, $0x7;
	s21 =	sadd.s32 s21, s3  }
0x1d: {  	v0 =	vmov s8;
	s22 =	sadd.s32 s22, s2;
	[dreg:$0xa] =	wrdreg s11;
	s20 =	sadd.s32 s20, s2  }
.LBB2_1:
0x1e: {  	s8 =	rddreg [dreg:$0x7]  }
0x1f: {  	[tilespmem:s4], [sflag:$0x2] =	stream.linear.gather [hbm4b:s8+s4], $0x2780, $0x38;
	[tilespmem:$0x1D580] =	vst v63  }
0x20: {  	_ =	swait.ge [sflag:s29], $0x2780  }
0x21: {  	[sflag:s29] =	ssyncset.done $0x0  }
0x22: {  	s9 =	simm.s32 $0x2800;
	s10 =	rddreg [dreg:$0x8];
	[sflag:s29] =	ssyncadd.s32 $0xFFFFD880  }
0x23: {  	[tilespmem:s9], [sflag:$0x2] =	stream.linear.gather [hbm4b:s10+s4], $0x2780, $0x38;
	[tilespmem:$0x1D580] =	vst v63  }
0x24: {  	_ =	swait.ge [sflag:s29], $0x2780  }
0x25: {  	[sflag:s29] =	ssyncset.done $0x0  }
0x26: {  	s11 =	rddreg [dreg:$0x6];
	[sflag:s29] =	ssyncadd.s32 $0xFFFFD880  }
0x27: {  	[tilespmem:s31], [sflag:$0x2] =	stream.linear.gather [hbm4b:s11+s4], $0x80, $0x38;
	[tilespmem:$0x1D580] =	vst v63  }
0x28: {  	_ =	swait.ge [sflag:s29], $0x80  }
0x29: {  	[sflag:s29] =	ssyncset.done $0x0  }
0x2a: {  	s8 =	simm.s32 $0x40;
	[sflag:s29] =	ssyncadd.s32 $0xFFFFFF80  }
0x2b: {  	v3 =	vld [tilespmem:s8+$0xFFFFFFC0]  }
0x2c: {  	v4 =	vld [tilespmem:s8+$0xFFFFFFD0]  }
0x2d: {  	v5 =	vld [tilespmem:s8+$0xFFFFFFE0]  }
0x2e: {  	v2 =	vld [tilespmem:s8+$0x0]  }
0x2f: {  	v1 =	vld [tilespmem:s8+$0x10]  }
0x30: {  	v6 =	vadd.s32 v0, v3;
	v3 =	vld [tilespmem:s8+$0x20]  }
0x31: {  	[tilespmem:s8+$0xFFFFFFC0] =	vst v6;
	v6 =	vadd.s32 v0, v4;
	v4 =	vld [tilespmem:s8+$0x30]  }
0x32: {  	s9 =	simm.s32 $0x0;
	s10 =	simm.s32 $0xC0;
	[tilespmem:s8+$0xFFFFFFD0] =	vst v6;
	v6 =	vadd.s32 v0, v5;
	v5 =	vld [tilespmem:s8+$0xFFFFFFF0]  }
.LBB2_2:
0x33: {  	v7 =	vld [tilespmem:s10+$0xFFFFFFC0];
	[tilespmem:s8+$0xFFFFFFE0] =	vst v6;
	v2 =	vadd.s32 v0, v2  }
0x34: {  	s9 =	sadd.s32 $0x8, s9;
	v6 =	vld [tilespmem:s10+$0xFFFFFFD0];
	[tilespmem:s8+$0x0] =	vst v2;
	v1 =	vadd.s32 v0, v1  }
0x35: {  	p0 =	slt.u32 s9, $0x270;
	v8 =	vld [tilespmem:s10+$0xFFFFFFE0];
	[tilespmem:s8+$0x10] =	vst v1;
	v1 =	vadd.s32 v0, v3  }
.Ltmp0:
0x36: {  	v2 =	vld [tilespmem:s10+$0x0];
	[tilespmem:s8+$0x20] =	vst v1;
	v3 =	vadd.s32 v0, v4;
	(pc) =	sbr.rel @p0 .LBB2_2-.Ltmp0, $4  }
0x37: {  	v1 =	vld [tilespmem:s10+$0x10];
	v4 =	vadd.s32 v0, v5;
	[tilespmem:s8+$0x30] =	vst v3  }
0x38: {  	v5 =	vadd.s32 v0, v7;
	v3 =	vld [tilespmem:s10+$0x20];
	[tilespmem:s8+$0xFFFFFFF0] =	vst v4;
	s8 =	smov.u32 s10  }
0x39: {  	[tilespmem:s10+$0xFFFFFFC0] =	vst v5;
	v5 =	vadd.s32 v0, v6;
	v4 =	vld [tilespmem:s10+$0x30]  }
0x3a: {  	s10 =	sadd.s32 $0x80, s10;
	[tilespmem:s8+$0xFFFFFFD0] =	vst v5;
	v6 =	vadd.s32 v0, v8;
	v5 =	vld [tilespmem:s8+$0xFFFFFFF0]  }
0x3b: {  	[tilespmem:s8+$0xFFFFFFE0] =	vst v6;
	v2 =	vadd.s32 v0, v2  }
0x3c: {  	[tilespmem:s8+$0x0] =	vst v2;
	v1 =	vadd.s32 v0, v1  }
0x3d: {  	[tilespmem:s8+$0x10] =	vst v1;
	v1 =	vadd.s32 v0, v3  }
0x3e: {  	[tilespmem:s8+$0x20] =	vst v1;
	v1 =	vadd.s32 v0, v4  }
0x3f: {  	v2 =	vadd.s32 v0, v5;
	[tilespmem:s8+$0x30] =	vst v1  }
0x40: {  	s11 =	simm.s32 $0x0;
	s9 =	rddreg [dreg:$0x5];
	[tilespmem:s8+$0xFFFFFFF0] =	vst v2  }
0x41: {  	[tilespmem:s0], [sflag:$0x2] =	stream.linear.gather [hbm4b:s9+s11], $0x4000, $0x38;
	[tilespmem:$0x1D580] =	vst v63  }
0x42: {  	_ =	swait.ge [sflag:s29], $0x4000  }
0x43: {  	[sflag:s29] =	ssyncset.done $0x0  }
0x44: {  	[sflag:s29] =	ssyncadd.s32 $0xFFFFC000  }
0x45: {  	[spmem:s16] =	stream.linear.scatter [tilespmem:s0], [sflag:$0x2], $0x4000, $0x38;
	[tilespmem:$0x1D580] =	vst v63  }
0x46: {  	_ =	swait.ge [sflag:s29], $0x4000  }
0x47: {  	[sflag:s29] =	ssyncset.done $0x0  }
0x48: {  	[sflag:s29] =	ssyncadd.s32 $0xFFFFC000  }
0x49: {  	[spmem:s19] =	stream.linear.scatter [tilespmem:s0], [sflag:$0x2], $0x80, $0x38;
	[tilespmem:$0x1D580] =	vst v63  }
0x4a: {  	_ =	swait.ge [sflag:s29], $0x80  }
0x4b: {  	[sflag:s29] =	ssyncset.done $0x0  }
0x4c: {  	[sflag:s29] =	ssyncadd.s32 $0xFFFFFF80  }
0x4d: {  	[spmem:s20] =	stream.linear.scatter [tilespmem:s0], [sflag:$0x2], $0x4000, $0x38;
	[tilespmem:$0x1D580] =	vst v63  }
0x4e: {  	_ =	swait.ge [sflag:s29], $0x4000  }
0x4f: {  	[sflag:s29] =	ssyncset.done $0x0  }
0x50: {  	[sflag:s29] =	ssyncadd.s32 $0xFFFFC000  }
0x51: {  	[spmem:s21] =	stream.linear.scatter [tilespmem:s0], [sflag:$0x2], $0x80, $0x38;
	[tilespmem:$0x1D580] =	vst v63  }
0x52: {  	_ =	swait.ge [sflag:s29], $0x80  }
0x53: {  	[sflag:s29] =	ssyncset.done $0x0  }
0x54: {  	[sflag:s29] =	ssyncadd.s32 $0xFFFFFF80  }
0x55: {  	[spmem:s22] =	stream.linear.scatter [tilespmem:s0], [sflag:$0x2], $0x4000, $0x38;
	[tilespmem:$0x1D580] =	vst v63  }
0x56: {  	_ =	swait.ge [sflag:s29], $0x4000  }
0x57: {  	[sflag:s29] =	ssyncset.done $0x0  }
0x58: {  	[sflag:s29] =	ssyncadd.s32 $0xFFFFC000  }
0x59: {  	[spmem:s23] =	stream.linear.scatter [tilespmem:s0], [sflag:$0x2], $0x80, $0x38;
	[tilespmem:$0x1D580] =	vst v63  }
0x5a: {  	_ =	swait.ge [sflag:s29], $0x80  }
0x5b: {  	[sflag:s29] =	ssyncset.done $0x0  }
0x5c: {  	[sflag:s29] =	ssyncadd.s32 $0xFFFFFF80  }
0x5d: {  	[spmem:s24] =	stream.linear.scatter [tilespmem:s0], [sflag:$0x2], $0x4000, $0x38;
	[tilespmem:$0x1D580] =	vst v63  }
0x5e: {  	_ =	swait.ge [sflag:s29], $0x4000  }
0x5f: {  	[sflag:s29] =	ssyncset.done $0x0  }
0x60: {  	[sflag:s29] =	ssyncadd.s32 $0xFFFFC000  }
0x61: {  	[spmem:s25] =	stream.linear.scatter [tilespmem:s0], [sflag:$0x2], $0x80, $0x38;
	[tilespmem:$0x1D580] =	vst v63  }
0x62: {  	_ =	swait.ge [sflag:s29], $0x80  }
0x63: {  	[sflag:s29] =	ssyncset.done $0x0  }
0x64: {  	[sflag:s29] =	ssyncadd.s32 $0xFFFFFF80  }
0x65: {  	[spmem:s26] =	stream.linear.scatter [tilespmem:s0], [sflag:$0x2], $0x4000, $0x38;
	[tilespmem:$0x1D580] =	vst v63  }
0x66: {  	_ =	swait.ge [sflag:s29], $0x4000  }
0x67: {  	[sflag:s29] =	ssyncset.done $0x0  }
0x68: {  	[sflag:s29] =	ssyncadd.s32 $0xFFFFC000  }
0x69: {  	[spmem:s28] =	stream.linear.scatter [tilespmem:s0], [sflag:$0x2], $0x80, $0x38;
	[tilespmem:$0x1D580] =	vst v63  }
0x6a: {  	_ =	swait.ge [sflag:s29], $0x80  }
0x6b: {  	[sflag:s29] =	ssyncset.done $0x0  }
0x6c: {  	[sflag:s29] =	ssyncadd.s32 $0xFFFFFF80  }
0x6d: {  	s10 =	simm.s32 $0x0;
	[bflag:$0x0] =	sbarrier.arrive $0xFFFF  }
0x6e: {  	[tilespmem:s0], [sflag:$0x1] =	stream.indirect.gather [hbm4b:s5+s1], $0x80, s10, s1, $0xb8;
	[tilespmem:$0x1D580] =	vst v63  }
0x6f: {  	_ =	swait.ge [sflag:s30], $0x4000  }
0x70: {  	[sflag:s30] =	ssyncset.done $0x0  }
0x71: {  	s11 =	simm.s32 $0x2800;
	[sflag:s30] =	ssyncadd.s32 $0xFFFFC000  }
0x72: {  	[spmem:s2] =	stream.indirect.scatter.add.f32 [tilespmem:s0], [sflag:$0x2], $0x80, s11, s1, $0xb8;
	[tilespmem:$0x1D580] =	vst v63  }
0x73: {  	_ =	swait.ge [sflag:s29], $0x4000  }
0x74: {  	[sflag:s29] =	ssyncset.done $0x0  }
0x75: {  	[sflag:s29] =	ssyncadd.s32 $0xFFFFC000  }
0x76: {  	[spmem:s3] =	stream.indirect.scatter.add.f32 [tilespmem:s31], [sflag:$0x2], $0x1, s11, s1, $0xb8;
	[tilespmem:$0x1D580] =	vst v63  }
0x77: {  	_ =	swait.ge [sflag:s29], $0x80  }
0x78: {  	s8 =	simm.s32 $0x200;
	s9 =	simm.s32 $0x400;
	[sflag:s29] =	ssyncset.done $0x0  }
.LBB2_4:
0x79: {  	s10 =	sshra.s32 s8, $0x2  }
0x7a: {  	[sflag:s29] =	ssyncadd.s32 $0xFFFFFF80;
	s8 =	smov.u32 s9;
	s11 =	sadd.s32 $0x200, s9  }
0x7b: {  	[tilespmem:s0], [sflag:$0x1] =	stream.indirect.gather [hbm4b:s5+s1], $0x80, s10, s1, $0xb8;
	[tilespmem:$0x1D580] =	vst v63  }
0x7c: {  	p0 =	sne.s32 s9, $0x9C00;
	_ =	swait.ge [sflag:s30], $0x4000  }
0x7d: {  	[sflag:s30] =	ssyncset.done $0x0  }
0x7e: {  	s9 =	sadd.s32 $0x2800, s10;
	[sflag:s30] =	ssyncadd.s32 $0xFFFFC000  }
0x7f: {  	[spmem:s2] =	stream.indirect.scatter.add.f32 [tilespmem:s0], [sflag:$0x2], $0x80, s9, s1, $0xb8;
	[tilespmem:$0x1D580] =	vst v63  }
0x80: {  	_ =	swait.ge [sflag:s29], $0x4000  }
.Ltmp1:
0x81: {  	[sflag:s29] =	ssyncset.done $0x0;
	(pc) =	sbr.rel @p0 .LBB2_4-.Ltmp1, $4  }
0x82: {  	[sflag:s29] =	ssyncadd.s32 $0xFFFFC000  }
0x83: {  	[spmem:s3] =	stream.indirect.scatter.add.f32 [tilespmem:s31], [sflag:$0x2], $0x1, s9, s1, $0xb8;
	[tilespmem:$0x1D580] =	vst v63  }
0x84: {  	_ =	swait.ge [sflag:s29], $0x80  }
0x85: {  	s9 =	smov.u32 s11;
	[sflag:s29] =	ssyncset.done $0x0  }
0x86: {  	s8 =	sshra.s32 s8, $0x2;
	[sflag:s29] =	ssyncadd.s32 $0xFFFFFF80  }
0x87: {  	[tilespmem:s0], [sflag:$0x1] =	stream.indirect.gather [hbm4b:s5+s1], $0x80, s8, s1, $0xb8;
	[tilespmem:$0x1D580] =	vst v63  }
0x88: {  	_ =	swait.ge [sflag:s30], $0x4000  }
0x89: {  	[sflag:s30] =	ssyncset.done $0x0  }
0x8a: {  	s8 =	sadd.s32 $0x2800, s8;
	[sflag:s30] =	ssyncadd.s32 $0xFFFFC000  }
0x8b: {  	[spmem:s2] =	stream.indirect.scatter.add.f32 [tilespmem:s0], [sflag:$0x2], $0x80, s8, s1, $0xb8;
	[tilespmem:$0x1D580] =	vst v63  }
0x8c: {  	_ =	swait.ge [sflag:s29], $0x4000  }
0x8d: {  	[sflag:s29] =	ssyncset.done $0x0  }
0x8e: {  	[sflag:s29] =	ssyncadd.s32 $0xFFFFC000  }
0x8f: {  	[spmem:s3] =	stream.indirect.scatter.add.f32 [tilespmem:s31], [sflag:$0x2], $0x1, s8, s1, $0xb8;
	[tilespmem:$0x1D580] =	vst v63  }
0x90: {  	_ =	swait.ge [sflag:s29], $0x80  }
0x91: {  	[sflag:s29] =	ssyncset.done $0x0  }
0x92: {  	[sflag:s29] =	ssyncadd.s32 $0xFFFFFF80  }
0x93: {  	[bflag:$0x0] =	sbarrier.arrive $0xFFFF  }
0x94: {  	[tilespmem:s0], [sflag:$0x2] =	stream.linear.gather [spmem:s16], $0x4000, $0x38;
	[tilespmem:$0x1D580] =	vst v63  }
0x95: {  	_ =	swait.ge [sflag:s29], $0x4000  }
0x96: {  	[sflag:s29] =	ssyncset.done $0x0  }
0x97: {  	s9 =	rddreg [dreg:$0x9];
	[sflag:s29] =	ssyncadd.s32 $0xFFFFC000  }
0x98: {  	[hbm4b:s9+s4] =	stream.linear.scatter [tilespmem:s0], [sflag:$0x2], $0x4000, $0x38;
	[tilespmem:$0x1D580] =	vst v63  }
0x99: {  	_ =	swait.ge [sflag:s29], $0x4000  }
0x9a: {  	[sflag:s29] =	ssyncset.done $0x0  }
0x9b: {  	[sflag:s29] =	ssyncadd.s32 $0xFFFFC000  }
0x9c: {  	[tilespmem:s0], [sflag:$0x2] =	stream.linear.gather [spmem:s20], $0x4000, $0x38;
	[tilespmem:$0x1D580] =	vst v63  }
0x9d: {  	_ =	swait.ge [sflag:s29], $0x4000  }
0x9e: {  	[sflag:s29] =	ssyncset.done $0x0  }
0x9f: {  	s10 =	rddreg [dreg:$0xa];
	[sflag:s29] =	ssyncadd.s32 $0xFFFFC000  }
0xa0: {  	[hbm4b:s10+s4] =	stream.linear.scatter [tilespmem:s0], [sflag:$0x2], $0x4000, $0x38;
	[tilespmem:$0x1D580] =	vst v63  }
0xa1: {  	_ =	swait.ge [sflag:s29], $0x4000  }
0xa2: {  	[sflag:s29] =	ssyncset.done $0x0  }
0xa3: {  	[sflag:s29] =	ssyncadd.s32 $0xFFFFC000  }
0xa4: {  	[tilespmem:s0], [sflag:$0x2] =	stream.linear.gather [spmem:s22], $0x4000, $0x38;
	[tilespmem:$0x1D580] =	vst v63  }
0xa5: {  	_ =	swait.ge [sflag:s29], $0x4000  }
0xa6: {  	[sflag:s29] =	ssyncset.done $0x0  }
0xa7: {  	[sflag:s29] =	ssyncadd.s32 $0xFFFFC000  }
0xa8: {  	[hbm4b:s12+s4] =	stream.linear.scatter [tilespmem:s0], [sflag:$0x2], $0x4000, $0x38;
	[tilespmem:$0x1D580] =	vst v63  }
0xa9: {  	_ =	swait.ge [sflag:s29], $0x4000  }
0xaa: {  	[sflag:s29] =	ssyncset.done $0x0  }
0xab: {  	[sflag:s29] =	ssyncadd.s32 $0xFFFFC000  }
0xac: {  	[tilespmem:s0], [sflag:$0x2] =	stream.linear.gather [spmem:s24], $0x4000, $0x38;
	[tilespmem:$0x1D580] =	vst v63  }
0xad: {  	_ =	swait.ge [sflag:s29], $0x4000  }
0xae: {  	[sflag:s29] =	ssyncset.done $0x0  }
0xaf: {  	[sflag:s29] =	ssyncadd.s32 $0xFFFFC000  }
0xb0: {  	[hbm4b:s13+s4] =	stream.linear.scatter [tilespmem:s0], [sflag:$0x2], $0x4000, $0x38;
	[tilespmem:$0x1D580] =	vst v63  }
0xb1: {  	_ =	swait.ge [sflag:s29], $0x4000  }
0xb2: {  	[sflag:s29] =	ssyncset.done $0x0  }
0xb3: {  	[sflag:s29] =	ssyncadd.s32 $0xFFFFC000  }
0xb4: {  	[tilespmem:s0], [sflag:$0x2] =	stream.linear.gather [spmem:s26], $0x4000, $0x38;
	[tilespmem:$0x1D580] =	vst v63  }
0xb5: {  	_ =	swait.ge [sflag:s29], $0x4000  }
0xb6: {  	[sflag:s29] =	ssyncset.done $0x0  }
0xb7: {  	[sflag:s29] =	ssyncadd.s32 $0xFFFFC000  }
0xb8: {  	[hbm4b:s14+s4] =	stream.linear.scatter [tilespmem:s0], [sflag:$0x2], $0x4000, $0x38;
	[tilespmem:$0x1D580] =	vst v63  }
0xb9: {  	_ =	swait.ge [sflag:s29], $0x4000  }
0xba: {  	[sflag:s29] =	ssyncset.done $0x0  }
0xbb: {  	[sflag:s29] =	ssyncadd.s32 $0xFFFFC000  }
0xbc: {  	[tilespmem:s6], [sflag:$0x2] =	stream.linear.gather [spmem:s15], $0x280, $0x38;
	[tilespmem:$0x1D580] =	vst v63  }
0xbd: {  	s7 =	sadd.s32 $0x1, s7;
	_ =	swait.ge [sflag:s29], $0x280  }
0xbe: {  	p0 =	sne.s32 s7, s17;
	[sflag:s29] =	ssyncset.done $0x0  }
.Ltmp2:
0xbf: {  	s11 =	simm.s32 $0x100;
	[sflag:s29] =	ssyncadd.s32 $0xFFFFFD80;
	(pc) =	sbr.rel @p0 .LBB2_1-.Ltmp2, $4  }
0xc0: {  	[hbm4b:s18+s1] =	stream.strided.scatter [tilespmem:s6], [sflag:$0x2], $0x280, s11, s1, $0x38;
	[tilespmem:$0x1D580] =	vst v63  }
0xc1: {  	_ =	swait.ge [sflag:s29], $0x280  }
0xc2: {  	[sflag:s29] =	ssyncset.done $0x0  }
0xc3: {  	[sflag:s29] =	ssyncadd.s32 $0xFFFFFD80  }
0xc4: {  	_ =	sfence.sel $0x180000  }
0xc5: {  	[bflag:$0x0] =	sbarrier.arrive $0xFFFF  }
0xc6: {  	_ =	strace $0x90000047  }
0xc7: {  	s0 =	stileid.u32;
	[bflag:$0x2] =	sbarrier.arrive $0xFFFF  }
0xc8: {  	p0 =	sne.s32 s0, $0x0;
	s0 =	rddreg [dreg:$0x4]  }
0xc9: {  	s0 =	sadd.s32 @!p0 $0x100000, s0  }
0xca: {  	[sflag:s0] =	ssyncadd.tile.s32 @!p0 $0x1;
	_ =	shalt  }
.Lfunc_end2:
_tile_overlayer_lowered:
.L_overlay_start_2:
0xcb: {  	(tag) =	ssettag $0x2  }
0xcc: {  	s0 =	rddreg [dreg:$0x0];
	s2 =	stileid.u32  }
0xcd: {  	s1 =	rddreg [dreg:$0x1];
	p0 =	sne.s32 s2, $0x0  }
0xce: {  	s3 =	rddreg [dreg:$0x2];
	[bflag:$0x3] =	sbarrier.arrive $0xFFFF;
	s2 =	simm.s32 @!p0 $0x1C02  }
0xcf: {  	[timem:s3], [sflag:s2] =	dma.local @!p0 [hbm:s0], s1  }
0xd0: {  	s0 =	simm.s32 @!p0 $0x2  }
0xd1: {  	_ =	swait.ge @!p0 [sflag:s0], s1  }
0xd2: {  	s1 =	ssub.s32 @!p0 $0x0, s1;
	[sflag:s0] =	ssyncset.done @!p0 $0x0  }
0xd3: {  	[sflag:s0] =	ssyncadd.s32 @!p0 s1  }
0xd4: {  	[bflag:$0x3] =	sbarrier.arrive $0xFFFF  }
0xd5: {  	_ =	shalt  }

</sc_bundles>
